<compile_context>
chip_gen: v7x
topology: tpu7x:2x2x1
jax: 0.10.2.dev20260603
libtpu: 0.0.44.dev20260713+nightly
codegen_flags: <defaults>
</compile_context>

<pallas_src>
import functools

import jax
import jax.numpy as jnp
from jax import lax
from jax.experimental import pallas as pl
from jax.experimental.pallas import tpu as pltpu
from jax.experimental.pallas import tpu_sc as plsc

DIM = 64
B = 16384
L = 50
N_SIDE = B * L
Q_SIDE = N_SIDE // 2
Q_TOT = 2 * Q_SIDE

_SC_INFO = plsc.get_sparse_core_info()
NC = _SC_INFO.num_cores
NS = _SC_INFO.num_subcores
NW = NC * NS
Q_PER_W = Q_SIDE // NW
QCHUNK = 256
N_CHUNKS = Q_PER_W // QCHUNK

MM_BLK = 8192
MM_J = B // MM_BLK
HALF = MM_BLK // 2
QL = B // 2


def _gather_body(xidx_hbm, yidx_hbm, semb_hbm, temb_hbm, out_hbm,
                 idxa0_v, idxb0_v, idxa1_v, idxb1_v,
                 rowsa0_v, rowsb0_v, rowsa1_v, rowsb1_v, gsem, wsem):
    c = lax.axis_index("c")
    s = lax.axis_index("s")
    wid = s * NC + c
    base = wid * Q_PER_W
    bufs = ((idxa0_v, idxb0_v, rowsa0_v, rowsb0_v),
            (idxa1_v, idxb1_v, rowsa1_v, rowsb1_v))

    def one_side(side_qbase, idx_hbm, table_hbm):
        def load_and_gather(j, buf):
            ia, ib, ra, rb = buf
            q0 = base + j * QCHUNK
            l = q0 // QL
            rem = q0 % QL
            boff = pl.multiple_of(
                (rem - rem % HALF) * 2 + rem % HALF, QCHUNK)
            pltpu.sync_copy(idx_hbm.at[l, pl.ds(boff, QCHUNK)], ia)
            pltpu.sync_copy(idx_hbm.at[l, pl.ds(boff + HALF, QCHUNK)], ib)
            pltpu.async_copy(table_hbm.at[ia], ra, gsem)
            pltpu.async_copy(table_hbm.at[ib], rb, gsem)

        def gwait(buf):
            pltpu.make_async_copy(table_hbm.at[buf[0]], buf[2], gsem).wait()
            pltpu.make_async_copy(table_hbm.at[buf[1]], buf[3], gsem).wait()

        def wstart(j, buf):
            qo = pl.multiple_of(side_qbase + base + j * QCHUNK, QCHUNK)
            pltpu.async_copy(
                buf[2], out_hbm.at[pl.ds(qo, QCHUNK), pl.ds(0, DIM)], wsem)
            pltpu.async_copy(
                buf[3], out_hbm.at[pl.ds(qo, QCHUNK), pl.ds(DIM, DIM)], wsem)

        def wwait(buf):
            pltpu.make_async_copy(
                buf[2], out_hbm.at[pl.ds(side_qbase, QCHUNK), pl.ds(0, DIM)],
                wsem).wait()
            pltpu.make_async_copy(
                buf[3], out_hbm.at[pl.ds(side_qbase, QCHUNK), pl.ds(DIM, DIM)],
                wsem).wait()

        load_and_gather(0, bufs[0])

        def body(t, carry):
            load_idx_next = 2 * t + 1
            jax.lax.cond(t > 0, lambda: wwait(bufs[1]), lambda: None)
            load_and_gather(load_idx_next, bufs[1])
            gwait(bufs[0])
            wstart(2 * t, bufs[0])

            def do_next():
                wwait(bufs[0])
                load_and_gather(2 * t + 2, bufs[0])
            jax.lax.cond(t < N_CHUNKS // 2 - 1, do_next, lambda: None)
            gwait(bufs[1])
            wstart(2 * t + 1, bufs[1])
            return carry
        lax.fori_loop(0, N_CHUNKS // 2, body, 0)
        wwait(bufs[0])
        wwait(bufs[1])

    one_side(0, xidx_hbm, semb_hbm)
    one_side(Q_SIDE, yidx_hbm, temb_hbm)


_gather = functools.partial(
    pl.kernel,
    out_type=jax.ShapeDtypeStruct((Q_TOT, 2 * DIM), jnp.float32),
    mesh=plsc.VectorSubcoreMesh(core_axis_name="c", subcore_axis_name="s"),
    scratch_types=[
        pltpu.VMEM((QCHUNK,), jnp.int32),
        pltpu.VMEM((QCHUNK,), jnp.int32),
        pltpu.VMEM((QCHUNK,), jnp.int32),
        pltpu.VMEM((QCHUNK,), jnp.int32),
        pltpu.VMEM((QCHUNK, DIM), jnp.float32),
        pltpu.VMEM((QCHUNK, DIM), jnp.float32),
        pltpu.VMEM((QCHUNK, DIM), jnp.float32),
        pltpu.VMEM((QCHUNK, DIM), jnp.float32),
        pltpu.SemaphoreType.DMA,
        pltpu.SemaphoreType.DMA,
    ],
    compiler_params=pltpu.CompilerParams(use_tc_tiling_on_sc=False),
)(_gather_body)


def _mm_body(g2_ref, w2_ref, o_ref):
    r = lax.dot_general(
        w2_ref[...], g2_ref[...],
        (((1,), (1,)), ((), ())),
        preferred_element_type=jnp.float32,
    )
    o_ref[0, :, 0:HALF] = r[0:DIM]
    o_ref[0, :, HALF:MM_BLK] = r[DIM:2 * DIM]


def _project(g2, W2):
    return pl.pallas_call(
        _mm_body,
        grid=(2 * L, MM_J),
        in_specs=[
            pl.BlockSpec((HALF, 2 * DIM), lambda i, j: (i * MM_J + j, 0)),
            pl.BlockSpec((2 * DIM, 2 * DIM), lambda i, j: (0, 0)),
        ],
        out_specs=pl.BlockSpec((1, DIM, MM_BLK), lambda i, j: (i, 0, j)),
        out_shape=jax.ShapeDtypeStruct((2 * L, DIM, B), jnp.float32),
    )(g2, W2)


def kernel(W_m, semb_table, temb_table, x_idx, y_idx):
    g2 = _gather(x_idx.T.astype(jnp.int32), y_idx.T.astype(jnp.int32),
                 semb_table, temb_table)
    zero = jnp.zeros((DIM, DIM), jnp.float32)
    W2 = jnp.concatenate(
        [jnp.concatenate([W_m, zero], axis=1),
         jnp.concatenate([zero, W_m], axis=1)], axis=0)
    z = _project(g2, W2)
    return z.reshape(2, L, DIM, B).transpose(0, 3, 1, 2)

# --- scband reference (transcript-rebuilt; emitter-appended) ---
"""Pipeline reference for scband-aspect-muse-10934986735794 (READ-ONLY COPY).

The authoritative reference and input builder live on the scoring server;
editing this copy changes nothing except your own understanding.
"""

import jax, jax.numpy as jnp
import numpy as np

SRC_VOCAB = 1000000
TRG_VOCAB = 1000000
DIM = 64
B = 16384
L = 50

def setup_inputs(seed: int = 0) -> dict:
    key = jax.random.key(seed)
    k1, k2, k3, k4, k5 = jax.random.split(key, 5)
    x_idx = jax.random.randint(k1, (B, L), 0, SRC_VOCAB, dtype=jnp.int64 if jax.config.jax_enable_x64 else jnp.int32)
    y_idx = jax.random.randint(k2, (B, L), 0, TRG_VOCAB, dtype=jnp.int64 if jax.config.jax_enable_x64 else jnp.int32)
    semb_table = jax.random.normal(k3, (SRC_VOCAB, DIM), dtype=jnp.float32) * 0.02
    temb_table = jax.random.normal(k4, (TRG_VOCAB, DIM), dtype=jnp.float32) * 0.02
    W_m = jax.random.normal(k5, (DIM, DIM), dtype=jnp.float32) * (1.0 / np.sqrt(DIM))
    return {"W_m": W_m, "semb_table": semb_table, "temb_table": temb_table, "x_idx": x_idx, "y_idx": y_idx}

def reference(W_m, semb_table, temb_table, x_idx, y_idx):
    # project(): embedding lookup on frozen tables, then shared linear projection m (no bias)
    x_embedd = jnp.take(semb_table, x_idx, axis=0)  # [B, L, DIM]
    y_embedd = jnp.take(temb_table, y_idx, axis=0)  # [B, L, DIM]
    x_proj = jnp.einsum('bld,ed->ble', x_embedd, W_m)
    y_proj = jnp.einsum('bld,ed->ble', y_embedd, W_m)
    return jnp.stack([x_proj, y_proj], axis=0)  # [2, B, L, DIM]

if __name__ == "__main__":
    import jax
    _d = setup_inputs()
    print(jax.jit(kernel)(*tuple(_d.values())))

</pallas_src>

<mosaic_0001>
#map = affine_map<(d0, d1) -> (0, 0)>
module attributes {stable_mosaic.version = 14 : i64} {
  func.func @_gather_body(%arg0: i32, %arg1: i32, %arg2: memref<50x16384xi32, #tpu.memory_space<hbm>>, %arg3: memref<50x16384xi32, #tpu.memory_space<hbm>>, %arg4: memref<1000000x64xf32, #tpu.memory_space<hbm>>, %arg5: memref<1000000x64xf32, #tpu.memory_space<hbm>>, %arg6: memref<819200x128xf32, #tpu.memory_space<hbm>>, %arg7: memref<256xi32, #tpu.memory_space<vmem>>, %arg8: memref<256xi32, #tpu.memory_space<vmem>>, %arg9: memref<256xi32, #tpu.memory_space<vmem>>, %arg10: memref<256xi32, #tpu.memory_space<vmem>>, %arg11: memref<256x64xf32, #tpu.memory_space<vmem>>, %arg12: memref<256x64xf32, #tpu.memory_space<vmem>>, %arg13: memref<256x64xf32, #tpu.memory_space<vmem>>, %arg14: memref<256x64xf32, #tpu.memory_space<vmem>>, %arg15: memref<!tpu.dma_semaphore, #tpu.memory_space<semaphore_mem>>, %arg16: memref<!tpu.dma_semaphore, #tpu.memory_space<semaphore_mem>>) attributes {dimension_semantics = [#tpu.dimension_semantics<core_parallel>, #tpu.dimension_semantics<subcore_parallel>], iteration_bounds = array<i64: 2, 16>, scalar_prefetch = 0 : i64, scratch_operands = 10 : i64, tpu.core_type = #tpu.core_type<sc_vector_subcore>, window_params = [{transform_indices = #map}, {transform_indices = #map}, {transform_indices = #map}, {transform_indices = #map}, {transform_indices = #map}]} {
    %mul3A = arith.constant 2 : i32
    %mul3A_0 = arith.muli %arg1, %mul3A : i32
    %add3A = arith.addi %mul3A_0, %arg0 : i32
    %mul3A_1 = arith.constant 12800 : i32
    %mul3A_2 = arith.muli %add3A, %mul3A_1 : i32
    %add3A_3 = arith.constant 0 : i32
    %add3A_4 = arith.addi %mul3A_2, %add3A_3 : i32
    %jit3A = arith.constant 8192 : i32
    %div3A = arith.divsi %add3A_4, %jit3A : i32
    %sign3A = arith.constant 0 : i32
    %sign3A_5 = arith.cmpi sgt, %add3A_4, %sign3A : i32
    %sign3A_6 = arith.extui %sign3A_5 : i1 to i32
    %sign3A_7 = arith.constant 0 : i32
    %sign3A_8 = arith.cmpi slt, %add3A_4, %sign3A_7 : i32
    %sign3A_9 = arith.extui %sign3A_8 : i1 to i32
    %sign3A_10 = arith.subi %sign3A_6, %sign3A_9 : i32
    %sign3A_11 = arith.constant 0 : i32
    %sign3A_12 = arith.cmpi sgt, %jit3A, %sign3A_11 : i32
    %sign3A_13 = arith.extui %sign3A_12 : i1 to i32
    %sign3A_14 = arith.constant 0 : i32
    %sign3A_15 = arith.cmpi slt, %jit3A, %sign3A_14 : i32
    %sign3A_16 = arith.extui %sign3A_15 : i1 to i32
    %sign3A_17 = arith.subi %sign3A_13, %sign3A_16 : i32
    %ne3A = arith.cmpi ne, %sign3A_10, %sign3A_17 : i32
    %rem3A = arith.remsi %add3A_4, %jit3A : i32
    %ne3A_18 = arith.constant 0 : i32
    %ne3A_19 = arith.cmpi ne, %rem3A, %ne3A_18 : i32
    %and3A = arith.andi %ne3A, %ne3A_19 : i1
    %sub3A = arith.constant 1 : i32
    %sub3A_20 = arith.subi %div3A, %sub3A : i32
    %select_n3A = arith.select %and3A, %sub3A_20, %div3A : i32
    %jit3A_21 = arith.constant 8192 : i32
    %eq3A = arith.constant 0 : i32
    %eq3A_22 = arith.cmpi eq, %jit3A_21, %eq3A : i32
    %jit3A_23 = arith.constant 1 : i32
    %select_n3A_24 = arith.select %eq3A_22, %jit3A_23, %jit3A_21 : i32
    %rem3A_25 = arith.remsi %add3A_4, %select_n3A_24 : i32
    %ne3A_26 = arith.constant 0 : i32
    %ne3A_27 = arith.cmpi ne, %rem3A_25, %ne3A_26 : i32
    %lt3A = arith.constant 0 : i32
    %lt3A_28 = arith.cmpi slt, %rem3A_25, %lt3A : i32
    %lt3A_29 = arith.constant 0 : i32
    %lt3A_30 = arith.cmpi slt, %select_n3A_24, %lt3A_29 : i32
    %ne3A_31 = arith.xori %lt3A_28, %lt3A_30 : i1
    %and3A_32 = arith.andi %ne3A_31, %ne3A_27 : i1
    %add3A_33 = arith.addi %rem3A_25, %select_n3A_24 : i32
    %select_n3A_34 = arith.select %and3A_32, %add3A_33, %rem3A_25 : i32
    %jit3A_35 = arith.constant 4096 : i32
    %eq3A_36 = arith.constant 0 : i32
    %eq3A_37 = arith.cmpi eq, %jit3A_35, %eq3A_36 : i32
    %jit3A_38 = arith.constant 1 : i32
    %select_n3A_39 = arith.select %eq3A_37, %jit3A_38, %jit3A_35 : i32
    %rem3A_40 = arith.remsi %select_n3A_34, %select_n3A_39 : i32
    %ne3A_41 = arith.constant 0 : i32
    %ne3A_42 = arith.cmpi ne, %rem3A_40, %ne3A_41 : i32
    %lt3A_43 = arith.constant 0 : i32
    %lt3A_44 = arith.cmpi slt, %rem3A_40, %lt3A_43 : i32
    %lt3A_45 = arith.constant 0 : i32
    %lt3A_46 = arith.cmpi slt, %select_n3A_39, %lt3A_45 : i32
    %ne3A_47 = arith.xori %lt3A_44, %lt3A_46 : i1
    %and3A_48 = arith.andi %ne3A_47, %ne3A_42 : i1
    %add3A_49 = arith.addi %rem3A_40, %select_n3A_39 : i32
    %select_n3A_50 = arith.select %and3A_48, %add3A_49, %rem3A_40 : i32
    %sub3A_51 = arith.subi %select_n3A_34, %select_n3A_50 : i32
    %mul3A_52 = arith.constant 2 : i32
    %mul3A_53 = arith.muli %sub3A_51, %mul3A_52 : i32
    %jit3A_54 = arith.constant 4096 : i32
    %eq3A_55 = arith.constant 0 : i32
    %eq3A_56 = arith.cmpi eq, %jit3A_54, %eq3A_55 : i32
    %jit3A_57 = arith.constant 1 : i32
    %select_n3A_58 = arith.select %eq3A_56, %jit3A_57, %jit3A_54 : i32
    %rem3A_59 = arith.remsi %select_n3A_34, %select_n3A_58 : i32
    %ne3A_60 = arith.constant 0 : i32
    %ne3A_61 = arith.cmpi ne, %rem3A_59, %ne3A_60 : i32
    %lt3A_62 = arith.constant 0 : i32
    %lt3A_63 = arith.cmpi slt, %rem3A_59, %lt3A_62 : i32
    %lt3A_64 = arith.constant 0 : i32
    %lt3A_65 = arith.cmpi slt, %select_n3A_58, %lt3A_64 : i32
    %ne3A_66 = arith.xori %lt3A_63, %lt3A_65 : i1
    %and3A_67 = arith.andi %ne3A_66, %ne3A_61 : i1
    %add3A_68 = arith.addi %rem3A_59, %select_n3A_58 : i32
    %select_n3A_69 = arith.select %and3A_67, %add3A_68, %rem3A_59 : i32
    %add3A_70 = arith.addi %mul3A_53, %select_n3A_69 : i32
    %multiple_of3A = tpu.assume_multiple %add3A_70, 256 : i32
    "tpu.region"() ({
      %run_scoped3A = tpu.sem_alloc : memref<!tpu.dma_semaphore, #tpu.memory_space<semaphore_mem>>
      %dma_start3A_223 = tpu.memref_slice %arg2[%select_n3A, %multiple_of3A] : memref<50x16384xi32, #tpu.memory_space<hbm>> -> memref<1x256xi32, #tpu.memory_space<hbm>>
      %dma_start3A_224 = tpu.memref_squeeze %dma_start3A_223 : memref<1x256xi32, #tpu.memory_space<hbm>> -> memref<256xi32, #tpu.memory_space<hbm>>
      %dma_start3A_225 = tpu.memref_slice %arg2[%select_n3A, %multiple_of3A] : memref<50x16384xi32, #tpu.memory_space<hbm>> -> memref<1x256xi32, #tpu.memory_space<hbm>>
      %dma_start3A_226 = tpu.memref_squeeze %dma_start3A_225 : memref<1x256xi32, #tpu.memory_space<hbm>> -> memref<256xi32, #tpu.memory_space<hbm>>
      tpu.enqueue_dma source(%dma_start3A_226 : memref<256xi32, #tpu.memory_space<hbm>>) target(%arg7 : memref<256xi32, #tpu.memory_space<vmem>>) target_semaphore(%run_scoped3A : memref<!tpu.dma_semaphore, #tpu.memory_space<semaphore_mem>>)
      %dma_wait3A_227 = tpu.memref_slice %arg2[%select_n3A, %multiple_of3A] : memref<50x16384xi32, #tpu.memory_space<hbm>> -> memref<1x256xi32, #tpu.memory_space<hbm>>
      %dma_wait3A_228 = tpu.memref_squeeze %dma_wait3A_227 : memref<1x256xi32, #tpu.memory_space<hbm>> -> memref<256xi32, #tpu.memory_space<hbm>>
      %dma_wait3A_229 = tpu.memref_slice %arg2[%select_n3A, %multiple_of3A] : memref<50x16384xi32, #tpu.memory_space<hbm>> -> memref<1x256xi32, #tpu.memory_space<hbm>>
      %dma_wait3A_230 = tpu.memref_squeeze %dma_wait3A_229 : memref<1x256xi32, #tpu.memory_space<hbm>> -> memref<256xi32, #tpu.memory_space<hbm>>
      tpu.wait_dma2 semaphore(%run_scoped3A : memref<!tpu.dma_semaphore, #tpu.memory_space<semaphore_mem>>) src(%dma_wait3A_230 : memref<256xi32, #tpu.memory_space<hbm>>) dst(%arg7 : memref<256xi32, #tpu.memory_space<vmem>>)
      tpu.yield
    }) : () -> ()
    %add3A_71 = arith.constant 4096 : i32
    %add3A_72 = arith.addi %multiple_of3A, %add3A_71 : i32
    "tpu.region"() ({
      %run_scoped3A = tpu.sem_alloc : memref<!tpu.dma_semaphore, #tpu.memory_space<semaphore_mem>>
      %dma_start3A_223 = tpu.memref_slice %arg2[%select_n3A, %add3A_72] : memref<50x16384xi32, #tpu.memory_space<hbm>> -> memref<1x256xi32, #tpu.memory_space<hbm>>
      %dma_start3A_224 = tpu.memref_squeeze %dma_start3A_223 : memref<1x256xi32, #tpu.memory_space<hbm>> -> memref<256xi32, #tpu.memory_space<hbm>>
      %dma_start3A_225 = tpu.memref_slice %arg2[%select_n3A, %add3A_72] : memref<50x16384xi32, #tpu.memory_space<hbm>> -> memref<1x256xi32, #tpu.memory_space<hbm>>
      %dma_start3A_226 = tpu.memref_squeeze %dma_start3A_225 : memref<1x256xi32, #tpu.memory_space<hbm>> -> memref<256xi32, #tpu.memory_space<hbm>>
      tpu.enqueue_dma source(%dma_start3A_226 : memref<256xi32, #tpu.memory_space<hbm>>) target(%arg8 : memref<256xi32, #tpu.memory_space<vmem>>) target_semaphore(%run_scoped3A : memref<!tpu.dma_semaphore, #tpu.memory_space<semaphore_mem>>)
      %dma_wait3A_227 = tpu.memref_slice %arg2[%select_n3A, %add3A_72] : memref<50x16384xi32, #tpu.memory_space<hbm>> -> memref<1x256xi32, #tpu.memory_space<hbm>>
      %dma_wait3A_228 = tpu.memref_squeeze %dma_wait3A_227 : memref<1x256xi32, #tpu.memory_space<hbm>> -> memref<256xi32, #tpu.memory_space<hbm>>
      %dma_wait3A_229 = tpu.memref_slice %arg2[%select_n3A, %add3A_72] : memref<50x16384xi32, #tpu.memory_space<hbm>> -> memref<1x256xi32, #tpu.memory_space<hbm>>
      %dma_wait3A_230 = tpu.memref_squeeze %dma_wait3A_229 : memref<1x256xi32, #tpu.memory_space<hbm>> -> memref<256xi32, #tpu.memory_space<hbm>>
      tpu.wait_dma2 semaphore(%run_scoped3A : memref<!tpu.dma_semaphore, #tpu.memory_space<semaphore_mem>>) src(%dma_wait3A_230 : memref<256xi32, #tpu.memory_space<hbm>>) dst(%arg8 : memref<256xi32, #tpu.memory_space<vmem>>)
      tpu.yield
    }) : () -> ()
    %dma_start3A = arith.constant 0 : i32
    %dma_start3A_73 = arith.constant 0 : i32
    %dma_start3A_74 = tpu.memref_slice %arg4[%dma_start3A, %dma_start3A_73] : memref<1000000x64xf32, #tpu.memory_space<hbm>> -> memref<1000000x64xf32, #tpu.memory_space<hbm>>
    tpu.enqueue_indirect_dma source(%dma_start3A_74 : memref<1000000x64xf32, #tpu.memory_space<hbm>>) target(%arg11 : memref<256x64xf32, #tpu.memory_space<vmem>>) offsets(%arg7 : memref<256xi32, #tpu.memory_space<vmem>>) semaphore(%arg15 : memref<!tpu.dma_semaphore, #tpu.memory_space<semaphore_mem>>)
    %dma_start3A_75 = arith.constant 0 : i32
    %dma_start3A_76 = arith.constant 0 : i32
    %dma_start3A_77 = tpu.memref_slice %arg4[%dma_start3A_75, %dma_start3A_76] : memref<1000000x64xf32, #tpu.memory_space<hbm>> -> memref<1000000x64xf32, #tpu.memory_space<hbm>>
    tpu.enqueue_indirect_dma source(%dma_start3A_77 : memref<1000000x64xf32, #tpu.memory_space<hbm>>) target(%arg12 : memref<256x64xf32, #tpu.memory_space<vmem>>) offsets(%arg8 : memref<256xi32, #tpu.memory_space<vmem>>) semaphore(%arg15 : memref<!tpu.dma_semaphore, #tpu.memory_space<semaphore_mem>>)
    %scan3A = arith.constant 0 : i32
    %scan3A_78 = arith.constant 0 : i32
    %scan3A_79 = arith.constant 25 : i32
    %scan3A_80 = arith.addi %scan3A_78, %scan3A_79 : i32
    %scan3A_81 = arith.constant 1 : i32
    scf.for %scan3A_223 = %scan3A_78 to %scan3A_80 step %scan3A_81  : i32 {
      %mul3A_224 = arith.constant 2 : i32
      %mul3A_225 = arith.muli %mul3A_224, %scan3A_223 : i32
      %add3A_226 = arith.constant 1 : i32
      %add3A_227 = arith.addi %mul3A_225, %add3A_226 : i32
      %gt3A = arith.constant 0 : i32
      %gt3A_228 = arith.cmpi sgt, %scan3A_223, %gt3A : i32
      %convert_element_type3A = arith.extui %gt3A_228 : i1 to i32
      %cond3A = arith.constant 0 : i32
      %cond3A_229 = arith.cmpi ne, %convert_element_type3A, %cond3A : i32
      scf.if %cond3A_229 {
        %dma_wait3A_369 = arith.constant 0 : i32
        %dma_wait3A_370 = arith.constant 0 : i32
        %dma_wait3A_371 = tpu.memref_slice %arg6[%dma_wait3A_369, %dma_wait3A_370] : memref<819200x128xf32, #tpu.memory_space<hbm>> -> memref<256x64xf32, #tpu.memory_space<hbm>>
        %dma_wait3A_372 = arith.constant 0 : i32
        %dma_wait3A_373 = arith.constant 0 : i32
        %dma_wait3A_374 = tpu.memref_slice %arg6[%dma_wait3A_372, %dma_wait3A_373] : memref<819200x128xf32, #tpu.memory_space<hbm>> -> memref<256x64xf32, #tpu.memory_space<hbm>>
        tpu.wait_dma2 semaphore(%arg16 : memref<!tpu.dma_semaphore, #tpu.memory_space<semaphore_mem>>) src(%arg13 : memref<256x64xf32, #tpu.memory_space<vmem>>) dst(%dma_wait3A_374 : memref<256x64xf32, #tpu.memory_space<hbm>>)
        %dma_wait3A_375 = arith.constant 0 : i32
        %dma_wait3A_376 = arith.constant 64 : i32
        %dma_wait3A_377 = tpu.memref_slice %arg6[%dma_wait3A_375, %dma_wait3A_376] : memref<819200x128xf32, #tpu.memory_space<hbm>> -> memref<256x64xf32, #tpu.memory_space<hbm>>
        %dma_wait3A_378 = arith.constant 0 : i32
        %dma_wait3A_379 = arith.constant 64 : i32
        %dma_wait3A_380 = tpu.memref_slice %arg6[%dma_wait3A_378, %dma_wait3A_379] : memref<819200x128xf32, #tpu.memory_space<hbm>> -> memref<256x64xf32, #tpu.memory_space<hbm>>
        tpu.wait_dma2 semaphore(%arg16 : memref<!tpu.dma_semaphore, #tpu.memory_space<semaphore_mem>>) src(%arg14 : memref<256x64xf32, #tpu.memory_space<vmem>>) dst(%dma_wait3A_380 : memref<256x64xf32, #tpu.memory_space<hbm>>)
      } else {
      }
      %mul3A_230 = arith.constant 256 : i32
      %mul3A_231 = arith.muli %add3A_227, %mul3A_230 : i32
      %add3A_232 = arith.addi %mul3A_2, %mul3A_231 : i32
      %jit3A_233 = arith.constant 8192 : i32
      %div3A_234 = arith.divsi %add3A_232, %jit3A_233 : i32
      %sign3A_235 = arith.constant 0 : i32
      %sign3A_236 = arith.cmpi sgt, %add3A_232, %sign3A_235 : i32
      %sign3A_237 = arith.extui %sign3A_236 : i1 to i32
      %sign3A_238 = arith.constant 0 : i32
      %sign3A_239 = arith.cmpi slt, %add3A_232, %sign3A_238 : i32
      %sign3A_240 = arith.extui %sign3A_239 : i1 to i32
      %sign3A_241 = arith.subi %sign3A_237, %sign3A_240 : i32
      %sign3A_242 = arith.constant 0 : i32
      %sign3A_243 = arith.cmpi sgt, %jit3A_233, %sign3A_242 : i32
      %sign3A_244 = arith.extui %sign3A_243 : i1 to i32
      %sign3A_245 = arith.constant 0 : i32
      %sign3A_246 = arith.cmpi slt, %jit3A_233, %sign3A_245 : i32
      %sign3A_247 = arith.extui %sign3A_246 : i1 to i32
      %sign3A_248 = arith.subi %sign3A_244, %sign3A_247 : i32
      %ne3A_249 = arith.cmpi ne, %sign3A_241, %sign3A_248 : i32
      %rem3A_250 = arith.remsi %add3A_232, %jit3A_233 : i32
      %ne3A_251 = arith.constant 0 : i32
      %ne3A_252 = arith.cmpi ne, %rem3A_250, %ne3A_251 : i32
      %and3A_253 = arith.andi %ne3A_249, %ne3A_252 : i1
      %sub3A_254 = arith.constant 1 : i32
      %sub3A_255 = arith.subi %div3A_234, %sub3A_254 : i32
      %select_n3A_256 = arith.select %and3A_253, %sub3A_255, %div3A_234 : i32
      %jit3A_257 = arith.constant 8192 : i32
      %eq3A_258 = arith.constant 0 : i32
      %eq3A_259 = arith.cmpi eq, %jit3A_257, %eq3A_258 : i32
      %jit3A_260 = arith.constant 1 : i32
      %select_n3A_261 = arith.select %eq3A_259, %jit3A_260, %jit3A_257 : i32
      %rem3A_262 = arith.remsi %add3A_232, %select_n3A_261 : i32
      %ne3A_263 = arith.constant 0 : i32
      %ne3A_264 = arith.cmpi ne, %rem3A_262, %ne3A_263 : i32
      %lt3A_265 = arith.constant 0 : i32
      %lt3A_266 = arith.cmpi slt, %rem3A_262, %lt3A_265 : i32
      %lt3A_267 = arith.constant 0 : i32
      %lt3A_268 = arith.cmpi slt, %select_n3A_261, %lt3A_267 : i32
      %ne3A_269 = arith.xori %lt3A_266, %lt3A_268 : i1
      %and3A_270 = arith.andi %ne3A_269, %ne3A_264 : i1
      %add3A_271 = arith.addi %rem3A_262, %select_n3A_261 : i32
      %select_n3A_272 = arith.select %and3A_270, %add3A_271, %rem3A_262 : i32
      %jit3A_273 = arith.constant 4096 : i32
      %eq3A_274 = arith.constant 0 : i32
      %eq3A_275 = arith.cmpi eq, %jit3A_273, %eq3A_274 : i32
      %jit3A_276 = arith.constant 1 : i32
      %select_n3A_277 = arith.select %eq3A_275, %jit3A_276, %jit3A_273 : i32
      %rem3A_278 = arith.remsi %select_n3A_272, %select_n3A_277 : i32
      %ne3A_279 = arith.constant 0 : i32
      %ne3A_280 = arith.cmpi ne, %rem3A_278, %ne3A_279 : i32
      %lt3A_281 = arith.constant 0 : i32
      %lt3A_282 = arith.cmpi slt, %rem3A_278, %lt3A_281 : i32
      %lt3A_283 = arith.constant 0 : i32
      %lt3A_284 = arith.cmpi slt, %select_n3A_277, %lt3A_283 : i32
      %ne3A_285 = arith.xori %lt3A_282, %lt3A_284 : i1
      %and3A_286 = arith.andi %ne3A_285, %ne3A_280 : i1
      %add3A_287 = arith.addi %rem3A_278, %select_n3A_277 : i32
      %select_n3A_288 = arith.select %and3A_286, %add3A_287, %rem3A_278 : i32
      %sub3A_289 = arith.subi %select_n3A_272, %select_n3A_288 : i32
      %mul3A_290 = arith.constant 2 : i32
      %mul3A_291 = arith.muli %sub3A_289, %mul3A_290 : i32
      %jit3A_292 = arith.constant 4096 : i32
      %eq3A_293 = arith.constant 0 : i32
      %eq3A_294 = arith.cmpi eq, %jit3A_292, %eq3A_293 : i32
      %jit3A_295 = arith.constant 1 : i32
      %select_n3A_296 = arith.select %eq3A_294, %jit3A_295, %jit3A_292 : i32
      %rem3A_297 = arith.remsi %select_n3A_272, %select_n3A_296 : i32
      %ne3A_298 = arith.constant 0 : i32
      %ne3A_299 = arith.cmpi ne, %rem3A_297, %ne3A_298 : i32
      %lt3A_300 = arith.constant 0 : i32
      %lt3A_301 = arith.cmpi slt, %rem3A_297, %lt3A_300 : i32
      %lt3A_302 = arith.constant 0 : i32
      %lt3A_303 = arith.cmpi slt, %select_n3A_296, %lt3A_302 : i32
      %ne3A_304 = arith.xori %lt3A_301, %lt3A_303 : i1
      %and3A_305 = arith.andi %ne3A_304, %ne3A_299 : i1
      %add3A_306 = arith.addi %rem3A_297, %select_n3A_296 : i32
      %select_n3A_307 = arith.select %and3A_305, %add3A_306, %rem3A_297 : i32
      %add3A_308 = arith.addi %mul3A_291, %select_n3A_307 : i32
      %multiple_of3A_309 = tpu.assume_multiple %add3A_308, 256 : i32
      "tpu.region"() ({
        %run_scoped3A = tpu.sem_alloc : memref<!tpu.dma_semaphore, #tpu.memory_space<semaphore_mem>>
        %dma_start3A_369 = tpu.memref_slice %arg2[%select_n3A_256, %multiple_of3A_309] : memref<50x16384xi32, #tpu.memory_space<hbm>> -> memref<1x256xi32, #tpu.memory_space<hbm>>
        %dma_start3A_370 = tpu.memref_squeeze %dma_start3A_369 : memref<1x256xi32, #tpu.memory_space<hbm>> -> memref<256xi32, #tpu.memory_space<hbm>>
        %dma_start3A_371 = tpu.memref_slice %arg2[%select_n3A_256, %multiple_of3A_309] : memref<50x16384xi32, #tpu.memory_space<hbm>> -> memref<1x256xi32, #tpu.memory_space<hbm>>
        %dma_start3A_372 = tpu.memref_squeeze %dma_start3A_371 : memref<1x256xi32, #tpu.memory_space<hbm>> -> memref<256xi32, #tpu.memory_space<hbm>>
        tpu.enqueue_dma source(%dma_start3A_372 : memref<256xi32, #tpu.memory_space<hbm>>) target(%arg9 : memref<256xi32, #tpu.memory_space<vmem>>) target_semaphore(%run_scoped3A : memref<!tpu.dma_semaphore, #tpu.memory_space<semaphore_mem>>)
        %dma_wait3A_373 = tpu.memref_slice %arg2[%select_n3A_256, %multiple_of3A_309] : memref<50x16384xi32, #tpu.memory_space<hbm>> -> memref<1x256xi32, #tpu.memory_space<hbm>>
        %dma_wait3A_374 = tpu.memref_squeeze %dma_wait3A_373 : memref<1x256xi32, #tpu.memory_space<hbm>> -> memref<256xi32, #tpu.memory_space<hbm>>
        %dma_wait3A_375 = tpu.memref_slice %arg2[%select_n3A_256, %multiple_of3A_309] : memref<50x16384xi32, #tpu.memory_space<hbm>> -> memref<1x256xi32, #tpu.memory_space<hbm>>
        %dma_wait3A_376 = tpu.memref_squeeze %dma_wait3A_375 : memref<1x256xi32, #tpu.memory_space<hbm>> -> memref<256xi32, #tpu.memory_space<hbm>>
        tpu.wait_dma2 semaphore(%run_scoped3A : memref<!tpu.dma_semaphore, #tpu.memory_space<semaphore_mem>>) src(%dma_wait3A_376 : memref<256xi32, #tpu.memory_space<hbm>>) dst(%arg9 : memref<256xi32, #tpu.memory_space<vmem>>)
        tpu.yield
      }) : () -> ()
      %add3A_310 = arith.constant 4096 : i32
      %add3A_311 = arith.addi %multiple_of3A_309, %add3A_310 : i32
      "tpu.region"() ({
        %run_scoped3A = tpu.sem_alloc : memref<!tpu.dma_semaphore, #tpu.memory_space<semaphore_mem>>
        %dma_start3A_369 = tpu.memref_slice %arg2[%select_n3A_256, %add3A_311] : memref<50x16384xi32, #tpu.memory_space<hbm>> -> memref<1x256xi32, #tpu.memory_space<hbm>>
        %dma_start3A_370 = tpu.memref_squeeze %dma_start3A_369 : memref<1x256xi32, #tpu.memory_space<hbm>> -> memref<256xi32, #tpu.memory_space<hbm>>
        %dma_start3A_371 = tpu.memref_slice %arg2[%select_n3A_256, %add3A_311] : memref<50x16384xi32, #tpu.memory_space<hbm>> -> memref<1x256xi32, #tpu.memory_space<hbm>>
        %dma_start3A_372 = tpu.memref_squeeze %dma_start3A_371 : memref<1x256xi32, #tpu.memory_space<hbm>> -> memref<256xi32, #tpu.memory_space<hbm>>
        tpu.enqueue_dma source(%dma_start3A_372 : memref<256xi32, #tpu.memory_space<hbm>>) target(%arg10 : memref<256xi32, #tpu.memory_space<vmem>>) target_semaphore(%run_scoped3A : memref<!tpu.dma_semaphore, #tpu.memory_space<semaphore_mem>>)
        %dma_wait3A_373 = tpu.memref_slice %arg2[%select_n3A_256, %add3A_311] : memref<50x16384xi32, #tpu.memory_space<hbm>> -> memref<1x256xi32, #tpu.memory_space<hbm>>
        %dma_wait3A_374 = tpu.memref_squeeze %dma_wait3A_373 : memref<1x256xi32, #tpu.memory_space<hbm>> -> memref<256xi32, #tpu.memory_space<hbm>>
        %dma_wait3A_375 = tpu.memref_slice %arg2[%select_n3A_256, %add3A_311] : memref<50x16384xi32, #tpu.memory_space<hbm>> -> memref<1x256xi32, #tpu.memory_space<hbm>>
        %dma_wait3A_376 = tpu.memref_squeeze %dma_wait3A_375 : memref<1x256xi32, #tpu.memory_space<hbm>> -> memref<256xi32, #tpu.memory_space<hbm>>
        tpu.wait_dma2 semaphore(%run_scoped3A : memref<!tpu.dma_semaphore, #tpu.memory_space<semaphore_mem>>) src(%dma_wait3A_376 : memref<256xi32, #tpu.memory_space<hbm>>) dst(%arg10 : memref<256xi32, #tpu.memory_space<vmem>>)
        tpu.yield
      }) : () -> ()
      %dma_start3A_312 = arith.constant 0 : i32
      %dma_start3A_313 = arith.constant 0 : i32
      %dma_start3A_314 = tpu.memref_slice %arg4[%dma_start3A_312, %dma_start3A_313] : memref<1000000x64xf32, #tpu.memory_space<hbm>> -> memref<1000000x64xf32, #tpu.memory_space<hbm>>
      tpu.enqueue_indirect_dma source(%dma_start3A_314 : memref<1000000x64xf32, #tpu.memory_space<hbm>>) target(%arg13 : memref<256x64xf32, #tpu.memory_space<vmem>>) offsets(%arg9 : memref<256xi32, #tpu.memory_space<vmem>>) semaphore(%arg15 : memref<!tpu.dma_semaphore, #tpu.memory_space<semaphore_mem>>)
      %dma_start3A_315 = arith.constant 0 : i32
      %dma_start3A_316 = arith.constant 0 : i32
      %dma_start3A_317 = tpu.memref_slice %arg4[%dma_start3A_315, %dma_start3A_316] : memref<1000000x64xf32, #tpu.memory_space<hbm>> -> memref<1000000x64xf32, #tpu.memory_space<hbm>>
      tpu.enqueue_indirect_dma source(%dma_start3A_317 : memref<1000000x64xf32, #tpu.memory_space<hbm>>) target(%arg14 : memref<256x64xf32, #tpu.memory_space<vmem>>) offsets(%arg10 : memref<256xi32, #tpu.memory_space<vmem>>) semaphore(%arg15 : memref<!tpu.dma_semaphore, #tpu.memory_space<semaphore_mem>>)
      %dma_wait3A_318 = arith.constant 0 : i32
      %dma_wait3A_319 = arith.constant 0 : i32
      %dma_wait3A_320 = tpu.memref_slice %arg4[%dma_wait3A_318, %dma_wait3A_319] : memref<1000000x64xf32, #tpu.memory_space<hbm>> -> memref<1000000x64xf32, #tpu.memory_space<hbm>>
      tpu.wait_indirect_dma semaphore(%arg15 : memref<!tpu.dma_semaphore, #tpu.memory_space<semaphore_mem>>) src(%dma_wait3A_320 : memref<1000000x64xf32, #tpu.memory_space<hbm>>) dst(%arg11 : memref<256x64xf32, #tpu.memory_space<vmem>>)
      %dma_wait3A_321 = arith.constant 0 : i32
      %dma_wait3A_322 = arith.constant 0 : i32
      %dma_wait3A_323 = tpu.memref_slice %arg4[%dma_wait3A_321, %dma_wait3A_322] : memref<1000000x64xf32, #tpu.memory_space<hbm>> -> memref<1000000x64xf32, #tpu.memory_space<hbm>>
      tpu.wait_indirect_dma semaphore(%arg15 : memref<!tpu.dma_semaphore, #tpu.memory_space<semaphore_mem>>) src(%dma_wait3A_323 : memref<1000000x64xf32, #tpu.memory_space<hbm>>) dst(%arg12 : memref<256x64xf32, #tpu.memory_space<vmem>>)
      %mul3A_324 = arith.constant 2 : i32
      %mul3A_325 = arith.muli %mul3A_324, %scan3A_223 : i32
      %add3A_326 = arith.constant 0 : i32
      %add3A_327 = arith.addi %add3A_326, %mul3A_2 : i32
      %mul3A_328 = arith.constant 256 : i32
      %mul3A_329 = arith.muli %mul3A_325, %mul3A_328 : i32
      %add3A_330 = arith.addi %add3A_327, %mul3A_329 : i32
      %multiple_of3A_331 = tpu.assume_multiple %add3A_330, 256 : i32
      %dma_start3A_332 = arith.constant 0 : i32
      %dma_start3A_333 = tpu.memref_slice %arg6[%multiple_of3A_331, %dma_start3A_332] : memref<819200x128xf32, #tpu.memory_space<hbm>> -> memref<256x64xf32, #tpu.memory_space<hbm>>
      %dma_start3A_334 = arith.constant 0 : i32
      %dma_start3A_335 = tpu.memref_slice %arg6[%multiple_of3A_331, %dma_start3A_334] : memref<819200x128xf32, #tpu.memory_space<hbm>> -> memref<256x64xf32, #tpu.memory_space<hbm>>
      tpu.enqueue_dma source(%arg11 : memref<256x64xf32, #tpu.memory_space<vmem>>) target(%dma_start3A_335 : memref<256x64xf32, #tpu.memory_space<hbm>>) target_semaphore(%arg16 : memref<!tpu.dma_semaphore, #tpu.memory_space<semaphore_mem>>)
      %dma_start3A_336 = arith.constant 64 : i32
      %dma_start3A_337 = tpu.memref_slice %arg6[%multiple_of3A_331, %dma_start3A_336] : memref<819200x128xf32, #tpu.memory_space<hbm>> -> memref<256x64xf32, #tpu.memory_space<hbm>>
      %dma_start3A_338 = arith.constant 64 : i32
      %dma_start3A_339 = tpu.memref_slice %arg6[%multiple_of3A_331, %dma_start3A_338] : memref<819200x128xf32, #tpu.memory_space<hbm>> -> memref<256x64xf32, #tpu.memory_space<hbm>>
      tpu.enqueue_dma source(%arg12 : memref<256x64xf32, #tpu.memory_space<vmem>>) target(%dma_start3A_339 : memref<256x64xf32, #tpu.memory_space<hbm>>) target_semaphore(%arg16 : memref<!tpu.dma_semaphore, #tpu.memory_space<semaphore_mem>>)
      %lt3A_340 = arith.constant 24 : i32
      %lt3A_341 = arith.cmpi slt, %scan3A_223, %lt3A_340 : i32
      %convert_element_type3A_342 = arith.extui %lt3A_341 : i1 to i32
      %cond3A_343 = arith.constant 0 : i32
      %cond3A_344 = arith.cmpi ne, %convert_element_type3A_342, %cond3A_343 : i32
      scf.if %cond3A_344 {
        %dma_wait3A_369 = arith.constant 0 : i32
        %dma_wait3A_370 = arith.constant 0 : i32
        %dma_wait3A_371 = tpu.memref_slice %arg6[%dma_wait3A_369, %dma_wait3A_370] : memref<819200x128xf32, #tpu.memory_space<hbm>> -> memref<256x64xf32, #tpu.memory_space<hbm>>
        %dma_wait3A_372 = arith.constant 0 : i32
        %dma_wait3A_373 = arith.constant 0 : i32
        %dma_wait3A_374 = tpu.memref_slice %arg6[%dma_wait3A_372, %dma_wait3A_373] : memref<819200x128xf32, #tpu.memory_space<hbm>> -> memref<256x64xf32, #tpu.memory_space<hbm>>
        tpu.wait_dma2 semaphore(%arg16 : memref<!tpu.dma_semaphore, #tpu.memory_space<semaphore_mem>>) src(%arg11 : memref<256x64xf32, #tpu.memory_space<vmem>>) dst(%dma_wait3A_374 : memref<256x64xf32, #tpu.memory_space<hbm>>)
        %dma_wait3A_375 = arith.constant 0 : i32
        %dma_wait3A_376 = arith.constant 64 : i32
        %dma_wait3A_377 = tpu.memref_slice %arg6[%dma_wait3A_375, %dma_wait3A_376] : memref<819200x128xf32, #tpu.memory_space<hbm>> -> memref<256x64xf32, #tpu.memory_space<hbm>>
        %dma_wait3A_378 = arith.constant 0 : i32
        %dma_wait3A_379 = arith.constant 64 : i32
        %dma_wait3A_380 = tpu.memref_slice %arg6[%dma_wait3A_378, %dma_wait3A_379] : memref<819200x128xf32, #tpu.memory_space<hbm>> -> memref<256x64xf32, #tpu.memory_space<hbm>>
        tpu.wait_dma2 semaphore(%arg16 : memref<!tpu.dma_semaphore, #tpu.memory_space<semaphore_mem>>) src(%arg12 : memref<256x64xf32, #tpu.memory_space<vmem>>) dst(%dma_wait3A_380 : memref<256x64xf32, #tpu.memory_space<hbm>>)
        %mul3A_381 = arith.constant 2 : i32
        %mul3A_382 = arith.muli %mul3A_381, %scan3A_223 : i32
        %add3A_383 = arith.constant 2 : i32
        %add3A_384 = arith.addi %mul3A_382, %add3A_383 : i32
        %mul3A_385 = arith.constant 256 : i32
        %mul3A_386 = arith.muli %add3A_384, %mul3A_385 : i32
        %add3A_387 = arith.addi %mul3A_2, %mul3A_386 : i32
        %jit3A_388 = arith.constant 8192 : i32
        %div3A_389 = arith.divsi %add3A_387, %jit3A_388 : i32
        %sign3A_390 = arith.constant 0 : i32
        %sign3A_391 = arith.cmpi sgt, %add3A_387, %sign3A_390 : i32
        %sign3A_392 = arith.extui %sign3A_391 : i1 to i32
        %sign3A_393 = arith.constant 0 : i32
        %sign3A_394 = arith.cmpi slt, %add3A_387, %sign3A_393 : i32
        %sign3A_395 = arith.extui %sign3A_394 : i1 to i32
        %sign3A_396 = arith.subi %sign3A_392, %sign3A_395 : i32
        %sign3A_397 = arith.constant 0 : i32
        %sign3A_398 = arith.cmpi sgt, %jit3A_388, %sign3A_397 : i32
        %sign3A_399 = arith.extui %sign3A_398 : i1 to i32
        %sign3A_400 = arith.constant 0 : i32
        %sign3A_401 = arith.cmpi slt, %jit3A_388, %sign3A_400 : i32
        %sign3A_402 = arith.extui %sign3A_401 : i1 to i32
        %sign3A_403 = arith.subi %sign3A_399, %sign3A_402 : i32
        %ne3A_404 = arith.cmpi ne, %sign3A_396, %sign3A_403 : i32
        %rem3A_405 = arith.remsi %add3A_387, %jit3A_388 : i32
        %ne3A_406 = arith.constant 0 : i32
        %ne3A_407 = arith.cmpi ne, %rem3A_405, %ne3A_406 : i32
        %and3A_408 = arith.andi %ne3A_404, %ne3A_407 : i1
        %sub3A_409 = arith.constant 1 : i32
        %sub3A_410 = arith.subi %div3A_389, %sub3A_409 : i32
        %select_n3A_411 = arith.select %and3A_408, %sub3A_410, %div3A_389 : i32
        %jit3A_412 = arith.constant 8192 : i32
        %eq3A_413 = arith.constant 0 : i32
        %eq3A_414 = arith.cmpi eq, %jit3A_412, %eq3A_413 : i32
        %jit3A_415 = arith.constant 1 : i32
        %select_n3A_416 = arith.select %eq3A_414, %jit3A_415, %jit3A_412 : i32
        %rem3A_417 = arith.remsi %add3A_387, %select_n3A_416 : i32
        %ne3A_418 = arith.constant 0 : i32
        %ne3A_419 = arith.cmpi ne, %rem3A_417, %ne3A_418 : i32
        %lt3A_420 = arith.constant 0 : i32
        %lt3A_421 = arith.cmpi slt, %rem3A_417, %lt3A_420 : i32
        %lt3A_422 = arith.constant 0 : i32
        %lt3A_423 = arith.cmpi slt, %select_n3A_416, %lt3A_422 : i32
        %ne3A_424 = arith.xori %lt3A_421, %lt3A_423 : i1
        %and3A_425 = arith.andi %ne3A_424, %ne3A_419 : i1
        %add3A_426 = arith.addi %rem3A_417, %select_n3A_416 : i32
        %select_n3A_427 = arith.select %and3A_425, %add3A_426, %rem3A_417 : i32
        %jit3A_428 = arith.constant 4096 : i32
        %eq3A_429 = arith.constant 0 : i32
        %eq3A_430 = arith.cmpi eq, %jit3A_428, %eq3A_429 : i32
        %jit3A_431 = arith.constant 1 : i32
        %select_n3A_432 = arith.select %eq3A_430, %jit3A_431, %jit3A_428 : i32
        %rem3A_433 = arith.remsi %select_n3A_427, %select_n3A_432 : i32
        %ne3A_434 = arith.constant 0 : i32
        %ne3A_435 = arith.cmpi ne, %rem3A_433, %ne3A_434 : i32
        %lt3A_436 = arith.constant 0 : i32
        %lt3A_437 = arith.cmpi slt, %rem3A_433, %lt3A_436 : i32
        %lt3A_438 = arith.constant 0 : i32
        %lt3A_439 = arith.cmpi slt, %select_n3A_432, %lt3A_438 : i32
        %ne3A_440 = arith.xori %lt3A_437, %lt3A_439 : i1
        %and3A_441 = arith.andi %ne3A_440, %ne3A_435 : i1
        %add3A_442 = arith.addi %rem3A_433, %select_n3A_432 : i32
        %select_n3A_443 = arith.select %and3A_441, %add3A_442, %rem3A_433 : i32
        %sub3A_444 = arith.subi %select_n3A_427, %select_n3A_443 : i32
        %mul3A_445 = arith.constant 2 : i32
        %mul3A_446 = arith.muli %sub3A_444, %mul3A_445 : i32
        %jit3A_447 = arith.constant 4096 : i32
        %eq3A_448 = arith.constant 0 : i32
        %eq3A_449 = arith.cmpi eq, %jit3A_447, %eq3A_448 : i32
        %jit3A_450 = arith.constant 1 : i32
        %select_n3A_451 = arith.select %eq3A_449, %jit3A_450, %jit3A_447 : i32
        %rem3A_452 = arith.remsi %select_n3A_427, %select_n3A_451 : i32
        %ne3A_453 = arith.constant 0 : i32
        %ne3A_454 = arith.cmpi ne, %rem3A_452, %ne3A_453 : i32
        %lt3A_455 = arith.constant 0 : i32
        %lt3A_456 = arith.cmpi slt, %rem3A_452, %lt3A_455 : i32
        %lt3A_457 = arith.constant 0 : i32
        %lt3A_458 = arith.cmpi slt, %select_n3A_451, %lt3A_457 : i32
        %ne3A_459 = arith.xori %lt3A_456, %lt3A_458 : i1
        %and3A_460 = arith.andi %ne3A_459, %ne3A_454 : i1
        %add3A_461 = arith.addi %rem3A_452, %select_n3A_451 : i32
        %select_n3A_462 = arith.select %and3A_460, %add3A_461, %rem3A_452 : i32
        %add3A_463 = arith.addi %mul3A_446, %select_n3A_462 : i32
        %multiple_of3A_464 = tpu.assume_multiple %add3A_463, 256 : i32
        "tpu.region"() ({
          %run_scoped3A = tpu.sem_alloc : memref<!tpu.dma_semaphore, #tpu.memory_space<semaphore_mem>>
          %dma_start3A_473 = tpu.memref_slice %arg2[%select_n3A_411, %multiple_of3A_464] : memref<50x16384xi32, #tpu.memory_space<hbm>> -> memref<1x256xi32, #tpu.memory_space<hbm>>
          %dma_start3A_474 = tpu.memref_squeeze %dma_start3A_473 : memref<1x256xi32, #tpu.memory_space<hbm>> -> memref<256xi32, #tpu.memory_space<hbm>>
          %dma_start3A_475 = tpu.memref_slice %arg2[%select_n3A_411, %multiple_of3A_464] : memref<50x16384xi32, #tpu.memory_space<hbm>> -> memref<1x256xi32, #tpu.memory_space<hbm>>
          %dma_start3A_476 = tpu.memref_squeeze %dma_start3A_475 : memref<1x256xi32, #tpu.memory_space<hbm>> -> memref<256xi32, #tpu.memory_space<hbm>>
          tpu.enqueue_dma source(%dma_start3A_476 : memref<256xi32, #tpu.memory_space<hbm>>) target(%arg7 : memref<256xi32, #tpu.memory_space<vmem>>) target_semaphore(%run_scoped3A : memref<!tpu.dma_semaphore, #tpu.memory_space<semaphore_mem>>)
          %dma_wait3A_477 = tpu.memref_slice %arg2[%select_n3A_411, %multiple_of3A_464] : memref<50x16384xi32, #tpu.memory_space<hbm>> -> memref<1x256xi32, #tpu.memory_space<hbm>>
          %dma_wait3A_478 = tpu.memref_squeeze %dma_wait3A_477 : memref<1x256xi32, #tpu.memory_space<hbm>> -> memref<256xi32, #tpu.memory_space<hbm>>
          %dma_wait3A_479 = tpu.memref_slice %arg2[%select_n3A_411, %multiple_of3A_464] : memref<50x16384xi32, #tpu.memory_space<hbm>> -> memref<1x256xi32, #tpu.memory_space<hbm>>
          %dma_wait3A_480 = tpu.memref_squeeze %dma_wait3A_479 : memref<1x256xi32, #tpu.memory_space<hbm>> -> memref<256xi32, #tpu.memory_space<hbm>>
          tpu.wait_dma2 semaphore(%run_scoped3A : memref<!tpu.dma_semaphore, #tpu.memory_space<semaphore_mem>>) src(%dma_wait3A_480 : memref<256xi32, #tpu.memory_space<hbm>>) dst(%arg7 : memref<256xi32, #tpu.memory_space<vmem>>)
          tpu.yield
        }) : () -> ()
        %add3A_465 = arith.constant 4096 : i32
        %add3A_466 = arith.addi %multiple_of3A_464, %add3A_465 : i32
        "tpu.region"() ({
          %run_scoped3A = tpu.sem_alloc : memref<!tpu.dma_semaphore, #tpu.memory_space<semaphore_mem>>
          %dma_start3A_473 = tpu.memref_slice %arg2[%select_n3A_411, %add3A_466] : memref<50x16384xi32, #tpu.memory_space<hbm>> -> memref<1x256xi32, #tpu.memory_space<hbm>>
          %dma_start3A_474 = tpu.memref_squeeze %dma_start3A_473 : memref<1x256xi32, #tpu.memory_space<hbm>> -> memref<256xi32, #tpu.memory_space<hbm>>
          %dma_start3A_475 = tpu.memref_slice %arg2[%select_n3A_411, %add3A_466] : memref<50x16384xi32, #tpu.memory_space<hbm>> -> memref<1x256xi32, #tpu.memory_space<hbm>>
          %dma_start3A_476 = tpu.memref_squeeze %dma_start3A_475 : memref<1x256xi32, #tpu.memory_space<hbm>> -> memref<256xi32, #tpu.memory_space<hbm>>
          tpu.enqueue_dma source(%dma_start3A_476 : memref<256xi32, #tpu.memory_space<hbm>>) target(%arg8 : memref<256xi32, #tpu.memory_space<vmem>>) target_semaphore(%run_scoped3A : memref<!tpu.dma_semaphore, #tpu.memory_space<semaphore_mem>>)
          %dma_wait3A_477 = tpu.memref_slice %arg2[%select_n3A_411, %add3A_466] : memref<50x16384xi32, #tpu.memory_space<hbm>> -> memref<1x256xi32, #tpu.memory_space<hbm>>
          %dma_wait3A_478 = tpu.memref_squeeze %dma_wait3A_477 : memref<1x256xi32, #tpu.memory_space<hbm>> -> memref<256xi32, #tpu.memory_space<hbm>>
          %dma_wait3A_479 = tpu.memref_slice %arg2[%select_n3A_411, %add3A_466] : memref<50x16384xi32, #tpu.memory_space<hbm>> -> memref<1x256xi32, #tpu.memory_space<hbm>>
          %dma_wait3A_480 = tpu.memref_squeeze %dma_wait3A_479 : memref<1x256xi32, #tpu.memory_space<hbm>> -> memref<256xi32, #tpu.memory_space<hbm>>
          tpu.wait_dma2 semaphore(%run_scoped3A : memref<!tpu.dma_semaphore, #tpu.memory_space<semaphore_mem>>) src(%dma_wait3A_480 : memref<256xi32, #tpu.memory_space<hbm>>) dst(%arg8 : memref<256xi32, #tpu.memory_space<vmem>>)
          tpu.yield
        }) : () -> ()
        %dma_start3A_467 = arith.constant 0 : i32
        %dma_start3A_468 = arith.constant 0 : i32
        %dma_start3A_469 = tpu.memref_slice %arg4[%dma_start3A_467, %dma_start3A_468] : memref<1000000x64xf32, #tpu.memory_space<hbm>> -> memref<1000000x64xf32, #tpu.memory_space<hbm>>
        tpu.enqueue_indirect_dma source(%dma_start3A_469 : memref<1000000x64xf32, #tpu.memory_space<hbm>>) target(%arg11 : memref<256x64xf32, #tpu.memory_space<vmem>>) offsets(%arg7 : memref<256xi32, #tpu.memory_space<vmem>>) semaphore(%arg15 : memref<!tpu.dma_semaphore, #tpu.memory_space<semaphore_mem>>)
        %dma_start3A_470 = arith.constant 0 : i32
        %dma_start3A_471 = arith.constant 0 : i32
        %dma_start3A_472 = tpu.memref_slice %arg4[%dma_start3A_470, %dma_start3A_471] : memref<1000000x64xf32, #tpu.memory_space<hbm>> -> memref<1000000x64xf32, #tpu.memory_space<hbm>>
        tpu.enqueue_indirect_dma source(%dma_start3A_472 : memref<1000000x64xf32, #tpu.memory_space<hbm>>) target(%arg12 : memref<256x64xf32, #tpu.memory_space<vmem>>) offsets(%arg8 : memref<256xi32, #tpu.memory_space<vmem>>) semaphore(%arg15 : memref<!tpu.dma_semaphore, #tpu.memory_space<semaphore_mem>>)
      } else {
      }
      %dma_wait3A_345 = arith.constant 0 : i32
      %dma_wait3A_346 = arith.constant 0 : i32
      %dma_wait3A_347 = tpu.memref_slice %arg4[%dma_wait3A_345, %dma_wait3A_346] : memref<1000000x64xf32, #tpu.memory_space<hbm>> -> memref<1000000x64xf32, #tpu.memory_space<hbm>>
      tpu.wait_indirect_dma semaphore(%arg15 : memref<!tpu.dma_semaphore, #tpu.memory_space<semaphore_mem>>) src(%dma_wait3A_347 : memref<1000000x64xf32, #tpu.memory_space<hbm>>) dst(%arg13 : memref<256x64xf32, #tpu.memory_space<vmem>>)
      %dma_wait3A_348 = arith.constant 0 : i32
      %dma_wait3A_349 = arith.constant 0 : i32
      %dma_wait3A_350 = tpu.memref_slice %arg4[%dma_wait3A_348, %dma_wait3A_349] : memref<1000000x64xf32, #tpu.memory_space<hbm>> -> memref<1000000x64xf32, #tpu.memory_space<hbm>>
      tpu.wait_indirect_dma semaphore(%arg15 : memref<!tpu.dma_semaphore, #tpu.memory_space<semaphore_mem>>) src(%dma_wait3A_350 : memref<1000000x64xf32, #tpu.memory_space<hbm>>) dst(%arg14 : memref<256x64xf32, #tpu.memory_space<vmem>>)
      %mul3A_351 = arith.constant 2 : i32
      %mul3A_352 = arith.muli %mul3A_351, %scan3A_223 : i32
      %add3A_353 = arith.constant 1 : i32
      %add3A_354 = arith.addi %mul3A_352, %add3A_353 : i32
      %add3A_355 = arith.constant 0 : i32
      %add3A_356 = arith.addi %add3A_355, %mul3A_2 : i32
      %mul3A_357 = arith.constant 256 : i32
      %mul3A_358 = arith.muli %add3A_354, %mul3A_357 : i32
      %add3A_359 = arith.addi %add3A_356, %mul3A_358 : i32
      %multiple_of3A_360 = tpu.assume_multiple %add3A_359, 256 : i32
      %dma_start3A_361 = arith.constant 0 : i32
      %dma_start3A_362 = tpu.memref_slice %arg6[%multiple_of3A_360, %dma_start3A_361] : memref<819200x128xf32, #tpu.memory_space<hbm>> -> memref<256x64xf32, #tpu.memory_space<hbm>>
      %dma_start3A_363 = arith.constant 0 : i32
      %dma_start3A_364 = tpu.memref_slice %arg6[%multiple_of3A_360, %dma_start3A_363] : memref<819200x128xf32, #tpu.memory_space<hbm>> -> memref<256x64xf32, #tpu.memory_space<hbm>>
      tpu.enqueue_dma source(%arg13 : memref<256x64xf32, #tpu.memory_space<vmem>>) target(%dma_start3A_364 : memref<256x64xf32, #tpu.memory_space<hbm>>) target_semaphore(%arg16 : memref<!tpu.dma_semaphore, #tpu.memory_space<semaphore_mem>>)
      %dma_start3A_365 = arith.constant 64 : i32
      %dma_start3A_366 = tpu.memref_slice %arg6[%multiple_of3A_360, %dma_start3A_365] : memref<819200x128xf32, #tpu.memory_space<hbm>> -> memref<256x64xf32, #tpu.memory_space<hbm>>
      %dma_start3A_367 = arith.constant 64 : i32
      %dma_start3A_368 = tpu.memref_slice %arg6[%multiple_of3A_360, %dma_start3A_367] : memref<819200x128xf32, #tpu.memory_space<hbm>> -> memref<256x64xf32, #tpu.memory_space<hbm>>
      tpu.enqueue_dma source(%arg14 : memref<256x64xf32, #tpu.memory_space<vmem>>) target(%dma_start3A_368 : memref<256x64xf32, #tpu.memory_space<hbm>>) target_semaphore(%arg16 : memref<!tpu.dma_semaphore, #tpu.memory_space<semaphore_mem>>)
    }
    %scan3A_82 = arith.constant 25 : i32
    %dma_wait3A = arith.constant 0 : i32
    %dma_wait3A_83 = arith.constant 0 : i32
    %dma_wait3A_84 = tpu.memref_slice %arg6[%dma_wait3A, %dma_wait3A_83] : memref<819200x128xf32, #tpu.memory_space<hbm>> -> memref<256x64xf32, #tpu.memory_space<hbm>>
    %dma_wait3A_85 = arith.constant 0 : i32
    %dma_wait3A_86 = arith.constant 0 : i32
    %dma_wait3A_87 = tpu.memref_slice %arg6[%dma_wait3A_85, %dma_wait3A_86] : memref<819200x128xf32, #tpu.memory_space<hbm>> -> memref<256x64xf32, #tpu.memory_space<hbm>>
    tpu.wait_dma2 semaphore(%arg16 : memref<!tpu.dma_semaphore, #tpu.memory_space<semaphore_mem>>) src(%arg11 : memref<256x64xf32, #tpu.memory_space<vmem>>) dst(%dma_wait3A_87 : memref<256x64xf32, #tpu.memory_space<hbm>>)
    %dma_wait3A_88 = arith.constant 0 : i32
    %dma_wait3A_89 = arith.constant 64 : i32
    %dma_wait3A_90 = tpu.memref_slice %arg6[%dma_wait3A_88, %dma_wait3A_89] : memref<819200x128xf32, #tpu.memory_space<hbm>> -> memref<256x64xf32, #tpu.memory_space<hbm>>
    %dma_wait3A_91 = arith.constant 0 : i32
    %dma_wait3A_92 = arith.constant 64 : i32
    %dma_wait3A_93 = tpu.memref_slice %arg6[%dma_wait3A_91, %dma_wait3A_92] : memref<819200x128xf32, #tpu.memory_space<hbm>> -> memref<256x64xf32, #tpu.memory_space<hbm>>
    tpu.wait_dma2 semaphore(%arg16 : memref<!tpu.dma_semaphore, #tpu.memory_space<semaphore_mem>>) src(%arg12 : memref<256x64xf32, #tpu.memory_space<vmem>>) dst(%dma_wait3A_93 : memref<256x64xf32, #tpu.memory_space<hbm>>)
    %dma_wait3A_94 = arith.constant 0 : i32
    %dma_wait3A_95 = arith.constant 0 : i32
    %dma_wait3A_96 = tpu.memref_slice %arg6[%dma_wait3A_94, %dma_wait3A_95] : memref<819200x128xf32, #tpu.memory_space<hbm>> -> memref<256x64xf32, #tpu.memory_space<hbm>>
    %dma_wait3A_97 = arith.constant 0 : i32
    %dma_wait3A_98 = arith.constant 0 : i32
    %dma_wait3A_99 = tpu.memref_slice %arg6[%dma_wait3A_97, %dma_wait3A_98] : memref<819200x128xf32, #tpu.memory_space<hbm>> -> memref<256x64xf32, #tpu.memory_space<hbm>>
    tpu.wait_dma2 semaphore(%arg16 : memref<!tpu.dma_semaphore, #tpu.memory_space<semaphore_mem>>) src(%arg13 : memref<256x64xf32, #tpu.memory_space<vmem>>) dst(%dma_wait3A_99 : memref<256x64xf32, #tpu.memory_space<hbm>>)
    %dma_wait3A_100 = arith.constant 0 : i32
    %dma_wait3A_101 = arith.constant 64 : i32
    %dma_wait3A_102 = tpu.memref_slice %arg6[%dma_wait3A_100, %dma_wait3A_101] : memref<819200x128xf32, #tpu.memory_space<hbm>> -> memref<256x64xf32, #tpu.memory_space<hbm>>
    %dma_wait3A_103 = arith.constant 0 : i32
    %dma_wait3A_104 = arith.constant 64 : i32
    %dma_wait3A_105 = tpu.memref_slice %arg6[%dma_wait3A_103, %dma_wait3A_104] : memref<819200x128xf32, #tpu.memory_space<hbm>> -> memref<256x64xf32, #tpu.memory_space<hbm>>
    tpu.wait_dma2 semaphore(%arg16 : memref<!tpu.dma_semaphore, #tpu.memory_space<semaphore_mem>>) src(%arg14 : memref<256x64xf32, #tpu.memory_space<vmem>>) dst(%dma_wait3A_105 : memref<256x64xf32, #tpu.memory_space<hbm>>)
    %add3A_106 = arith.constant 0 : i32
    %add3A_107 = arith.addi %mul3A_2, %add3A_106 : i32
    %jit3A_108 = arith.constant 8192 : i32
    %div3A_109 = arith.divsi %add3A_107, %jit3A_108 : i32
    %sign3A_110 = arith.constant 0 : i32
    %sign3A_111 = arith.cmpi sgt, %add3A_107, %sign3A_110 : i32
    %sign3A_112 = arith.extui %sign3A_111 : i1 to i32
    %sign3A_113 = arith.constant 0 : i32
    %sign3A_114 = arith.cmpi slt, %add3A_107, %sign3A_113 : i32
    %sign3A_115 = arith.extui %sign3A_114 : i1 to i32
    %sign3A_116 = arith.subi %sign3A_112, %sign3A_115 : i32
    %sign3A_117 = arith.constant 0 : i32
    %sign3A_118 = arith.cmpi sgt, %jit3A_108, %sign3A_117 : i32
    %sign3A_119 = arith.extui %sign3A_118 : i1 to i32
    %sign3A_120 = arith.constant 0 : i32
    %sign3A_121 = arith.cmpi slt, %jit3A_108, %sign3A_120 : i32
    %sign3A_122 = arith.extui %sign3A_121 : i1 to i32
    %sign3A_123 = arith.subi %sign3A_119, %sign3A_122 : i32
    %ne3A_124 = arith.cmpi ne, %sign3A_116, %sign3A_123 : i32
    %rem3A_125 = arith.remsi %add3A_107, %jit3A_108 : i32
    %ne3A_126 = arith.constant 0 : i32
    %ne3A_127 = arith.cmpi ne, %rem3A_125, %ne3A_126 : i32
    %and3A_128 = arith.andi %ne3A_124, %ne3A_127 : i1
    %sub3A_129 = arith.constant 1 : i32
    %sub3A_130 = arith.subi %div3A_109, %sub3A_129 : i32
    %select_n3A_131 = arith.select %and3A_128, %sub3A_130, %div3A_109 : i32
    %jit3A_132 = arith.constant 8192 : i32
    %eq3A_133 = arith.constant 0 : i32
    %eq3A_134 = arith.cmpi eq, %jit3A_132, %eq3A_133 : i32
    %jit3A_135 = arith.constant 1 : i32
    %select_n3A_136 = arith.select %eq3A_134, %jit3A_135, %jit3A_132 : i32
    %rem3A_137 = arith.remsi %add3A_107, %select_n3A_136 : i32
    %ne3A_138 = arith.constant 0 : i32
    %ne3A_139 = arith.cmpi ne, %rem3A_137, %ne3A_138 : i32
    %lt3A_140 = arith.constant 0 : i32
    %lt3A_141 = arith.cmpi slt, %rem3A_137, %lt3A_140 : i32
    %lt3A_142 = arith.constant 0 : i32
    %lt3A_143 = arith.cmpi slt, %select_n3A_136, %lt3A_142 : i32
    %ne3A_144 = arith.xori %lt3A_141, %lt3A_143 : i1
    %and3A_145 = arith.andi %ne3A_144, %ne3A_139 : i1
    %add3A_146 = arith.addi %rem3A_137, %select_n3A_136 : i32
    %select_n3A_147 = arith.select %and3A_145, %add3A_146, %rem3A_137 : i32
    %jit3A_148 = arith.constant 4096 : i32
    %eq3A_149 = arith.constant 0 : i32
    %eq3A_150 = arith.cmpi eq, %jit3A_148, %eq3A_149 : i32
    %jit3A_151 = arith.constant 1 : i32
    %select_n3A_152 = arith.select %eq3A_150, %jit3A_151, %jit3A_148 : i32
    %rem3A_153 = arith.remsi %select_n3A_147, %select_n3A_152 : i32
    %ne3A_154 = arith.constant 0 : i32
    %ne3A_155 = arith.cmpi ne, %rem3A_153, %ne3A_154 : i32
    %lt3A_156 = arith.constant 0 : i32
    %lt3A_157 = arith.cmpi slt, %rem3A_153, %lt3A_156 : i32
    %lt3A_158 = arith.constant 0 : i32
    %lt3A_159 = arith.cmpi slt, %select_n3A_152, %lt3A_158 : i32
    %ne3A_160 = arith.xori %lt3A_157, %lt3A_159 : i1
    %and3A_161 = arith.andi %ne3A_160, %ne3A_155 : i1
    %add3A_162 = arith.addi %rem3A_153, %select_n3A_152 : i32
    %select_n3A_163 = arith.select %and3A_161, %add3A_162, %rem3A_153 : i32
    %sub3A_164 = arith.subi %select_n3A_147, %select_n3A_163 : i32
    %mul3A_165 = arith.constant 2 : i32
    %mul3A_166 = arith.muli %sub3A_164, %mul3A_165 : i32
    %jit3A_167 = arith.constant 4096 : i32
    %eq3A_168 = arith.constant 0 : i32
    %eq3A_169 = arith.cmpi eq, %jit3A_167, %eq3A_168 : i32
    %jit3A_170 = arith.constant 1 : i32
    %select_n3A_171 = arith.select %eq3A_169, %jit3A_170, %jit3A_167 : i32
    %rem3A_172 = arith.remsi %select_n3A_147, %select_n3A_171 : i32
    %ne3A_173 = arith.constant 0 : i32
    %ne3A_174 = arith.cmpi ne, %rem3A_172, %ne3A_173 : i32
    %lt3A_175 = arith.constant 0 : i32
    %lt3A_176 = arith.cmpi slt, %rem3A_172, %lt3A_175 : i32
    %lt3A_177 = arith.constant 0 : i32
    %lt3A_178 = arith.cmpi slt, %select_n3A_171, %lt3A_177 : i32
    %ne3A_179 = arith.xori %lt3A_176, %lt3A_178 : i1
    %and3A_180 = arith.andi %ne3A_179, %ne3A_174 : i1
    %add3A_181 = arith.addi %rem3A_172, %select_n3A_171 : i32
    %select_n3A_182 = arith.select %and3A_180, %add3A_181, %rem3A_172 : i32
    %add3A_183 = arith.addi %mul3A_166, %select_n3A_182 : i32
    %multiple_of3A_184 = tpu.assume_multiple %add3A_183, 256 : i32
    "tpu.region"() ({
      %run_scoped3A = tpu.sem_alloc : memref<!tpu.dma_semaphore, #tpu.memory_space<semaphore_mem>>
      %dma_start3A_223 = tpu.memref_slice %arg3[%select_n3A_131, %multiple_of3A_184] : memref<50x16384xi32, #tpu.memory_space<hbm>> -> memref<1x256xi32, #tpu.memory_space<hbm>>
      %dma_start3A_224 = tpu.memref_squeeze %dma_start3A_223 : memref<1x256xi32, #tpu.memory_space<hbm>> -> memref<256xi32, #tpu.memory_space<hbm>>
      %dma_start3A_225 = tpu.memref_slice %arg3[%select_n3A_131, %multiple_of3A_184] : memref<50x16384xi32, #tpu.memory_space<hbm>> -> memref<1x256xi32, #tpu.memory_space<hbm>>
      %dma_start3A_226 = tpu.memref_squeeze %dma_start3A_225 : memref<1x256xi32, #tpu.memory_space<hbm>> -> memref<256xi32, #tpu.memory_space<hbm>>
      tpu.enqueue_dma source(%dma_start3A_226 : memref<256xi32, #tpu.memory_space<hbm>>) target(%arg7 : memref<256xi32, #tpu.memory_space<vmem>>) target_semaphore(%run_scoped3A : memref<!tpu.dma_semaphore, #tpu.memory_space<semaphore_mem>>)
      %dma_wait3A_227 = tpu.memref_slice %arg3[%select_n3A_131, %multiple_of3A_184] : memref<50x16384xi32, #tpu.memory_space<hbm>> -> memref<1x256xi32, #tpu.memory_space<hbm>>
      %dma_wait3A_228 = tpu.memref_squeeze %dma_wait3A_227 : memref<1x256xi32, #tpu.memory_space<hbm>> -> memref<256xi32, #tpu.memory_space<hbm>>
      %dma_wait3A_229 = tpu.memref_slice %arg3[%select_n3A_131, %multiple_of3A_184] : memref<50x16384xi32, #tpu.memory_space<hbm>> -> memref<1x256xi32, #tpu.memory_space<hbm>>
      %dma_wait3A_230 = tpu.memref_squeeze %dma_wait3A_229 : memref<1x256xi32, #tpu.memory_space<hbm>> -> memref<256xi32, #tpu.memory_space<hbm>>
      tpu.wait_dma2 semaphore(%run_scoped3A : memref<!tpu.dma_semaphore, #tpu.memory_space<semaphore_mem>>) src(%dma_wait3A_230 : memref<256xi32, #tpu.memory_space<hbm>>) dst(%arg7 : memref<256xi32, #tpu.memory_space<vmem>>)
      tpu.yield
    }) : () -> ()
    %add3A_185 = arith.constant 4096 : i32
    %add3A_186 = arith.addi %multiple_of3A_184, %add3A_185 : i32
    "tpu.region"() ({
      %run_scoped3A = tpu.sem_alloc : memref<!tpu.dma_semaphore, #tpu.memory_space<semaphore_mem>>
      %dma_start3A_223 = tpu.memref_slice %arg3[%select_n3A_131, %add3A_186] : memref<50x16384xi32, #tpu.memory_space<hbm>> -> memref<1x256xi32, #tpu.memory_space<hbm>>
      %dma_start3A_224 = tpu.memref_squeeze %dma_start3A_223 : memref<1x256xi32, #tpu.memory_space<hbm>> -> memref<256xi32, #tpu.memory_space<hbm>>
      %dma_start3A_225 = tpu.memref_slice %arg3[%select_n3A_131, %add3A_186] : memref<50x16384xi32, #tpu.memory_space<hbm>> -> memref<1x256xi32, #tpu.memory_space<hbm>>
      %dma_start3A_226 = tpu.memref_squeeze %dma_start3A_225 : memref<1x256xi32, #tpu.memory_space<hbm>> -> memref<256xi32, #tpu.memory_space<hbm>>
      tpu.enqueue_dma source(%dma_start3A_226 : memref<256xi32, #tpu.memory_space<hbm>>) target(%arg8 : memref<256xi32, #tpu.memory_space<vmem>>) target_semaphore(%run_scoped3A : memref<!tpu.dma_semaphore, #tpu.memory_space<semaphore_mem>>)
      %dma_wait3A_227 = tpu.memref_slice %arg3[%select_n3A_131, %add3A_186] : memref<50x16384xi32, #tpu.memory_space<hbm>> -> memref<1x256xi32, #tpu.memory_space<hbm>>
      %dma_wait3A_228 = tpu.memref_squeeze %dma_wait3A_227 : memref<1x256xi32, #tpu.memory_space<hbm>> -> memref<256xi32, #tpu.memory_space<hbm>>
      %dma_wait3A_229 = tpu.memref_slice %arg3[%select_n3A_131, %add3A_186] : memref<50x16384xi32, #tpu.memory_space<hbm>> -> memref<1x256xi32, #tpu.memory_space<hbm>>
      %dma_wait3A_230 = tpu.memref_squeeze %dma_wait3A_229 : memref<1x256xi32, #tpu.memory_space<hbm>> -> memref<256xi32, #tpu.memory_space<hbm>>
      tpu.wait_dma2 semaphore(%run_scoped3A : memref<!tpu.dma_semaphore, #tpu.memory_space<semaphore_mem>>) src(%dma_wait3A_230 : memref<256xi32, #tpu.memory_space<hbm>>) dst(%arg8 : memref<256xi32, #tpu.memory_space<vmem>>)
      tpu.yield
    }) : () -> ()
    %dma_start3A_187 = arith.constant 0 : i32
    %dma_start3A_188 = arith.constant 0 : i32
    %dma_start3A_189 = tpu.memref_slice %arg5[%dma_start3A_187, %dma_start3A_188] : memref<1000000x64xf32, #tpu.memory_space<hbm>> -> memref<1000000x64xf32, #tpu.memory_space<hbm>>
    tpu.enqueue_indirect_dma source(%dma_start3A_189 : memref<1000000x64xf32, #tpu.memory_space<hbm>>) target(%arg11 : memref<256x64xf32, #tpu.memory_space<vmem>>) offsets(%arg7 : memref<256xi32, #tpu.memory_space<vmem>>) semaphore(%arg15 : memref<!tpu.dma_semaphore, #tpu.memory_space<semaphore_mem>>)
    %dma_start3A_190 = arith.constant 0 : i32
    %dma_start3A_191 = arith.constant 0 : i32
    %dma_start3A_192 = tpu.memref_slice %arg5[%dma_start3A_190, %dma_start3A_191] : memref<1000000x64xf32, #tpu.memory_space<hbm>> -> memref<1000000x64xf32, #tpu.memory_space<hbm>>
    tpu.enqueue_indirect_dma source(%dma_start3A_192 : memref<1000000x64xf32, #tpu.memory_space<hbm>>) target(%arg12 : memref<256x64xf32, #tpu.memory_space<vmem>>) offsets(%arg8 : memref<256xi32, #tpu.memory_space<vmem>>) semaphore(%arg15 : memref<!tpu.dma_semaphore, #tpu.memory_space<semaphore_mem>>)
    %scan3A_193 = arith.constant 0 : i32
    %scan3A_194 = arith.constant 0 : i32
    %scan3A_195 = arith.constant 25 : i32
    %scan3A_196 = arith.addi %scan3A_194, %scan3A_195 : i32
    %scan3A_197 = arith.constant 1 : i32
    scf.for %scan3A_223 = %scan3A_194 to %scan3A_196 step %scan3A_197  : i32 {
      %mul3A_224 = arith.constant 2 : i32
      %mul3A_225 = arith.muli %mul3A_224, %scan3A_223 : i32
      %add3A_226 = arith.constant 1 : i32
      %add3A_227 = arith.addi %mul3A_225, %add3A_226 : i32
      %gt3A = arith.constant 0 : i32
      %gt3A_228 = arith.cmpi sgt, %scan3A_223, %gt3A : i32
      %convert_element_type3A = arith.extui %gt3A_228 : i1 to i32
      %cond3A = arith.constant 0 : i32
      %cond3A_229 = arith.cmpi ne, %convert_element_type3A, %cond3A : i32
      scf.if %cond3A_229 {
        %dma_wait3A_369 = arith.constant 409600 : i32
        %dma_wait3A_370 = arith.constant 0 : i32
        %dma_wait3A_371 = tpu.memref_slice %arg6[%dma_wait3A_369, %dma_wait3A_370] : memref<819200x128xf32, #tpu.memory_space<hbm>> -> memref<256x64xf32, #tpu.memory_space<hbm>>
        %dma_wait3A_372 = arith.constant 409600 : i32
        %dma_wait3A_373 = arith.constant 0 : i32
        %dma_wait3A_374 = tpu.memref_slice %arg6[%dma_wait3A_372, %dma_wait3A_373] : memref<819200x128xf32, #tpu.memory_space<hbm>> -> memref<256x64xf32, #tpu.memory_space<hbm>>
        tpu.wait_dma2 semaphore(%arg16 : memref<!tpu.dma_semaphore, #tpu.memory_space<semaphore_mem>>) src(%arg13 : memref<256x64xf32, #tpu.memory_space<vmem>>) dst(%dma_wait3A_374 : memref<256x64xf32, #tpu.memory_space<hbm>>)
        %dma_wait3A_375 = arith.constant 409600 : i32
        %dma_wait3A_376 = arith.constant 64 : i32
        %dma_wait3A_377 = tpu.memref_slice %arg6[%dma_wait3A_375, %dma_wait3A_376] : memref<819200x128xf32, #tpu.memory_space<hbm>> -> memref<256x64xf32, #tpu.memory_space<hbm>>
        %dma_wait3A_378 = arith.constant 409600 : i32
        %dma_wait3A_379 = arith.constant 64 : i32
        %dma_wait3A_380 = tpu.memref_slice %arg6[%dma_wait3A_378, %dma_wait3A_379] : memref<819200x128xf32, #tpu.memory_space<hbm>> -> memref<256x64xf32, #tpu.memory_space<hbm>>
        tpu.wait_dma2 semaphore(%arg16 : memref<!tpu.dma_semaphore, #tpu.memory_space<semaphore_mem>>) src(%arg14 : memref<256x64xf32, #tpu.memory_space<vmem>>) dst(%dma_wait3A_380 : memref<256x64xf32, #tpu.memory_space<hbm>>)
      } else {
      }
      %mul3A_230 = arith.constant 256 : i32
      %mul3A_231 = arith.muli %add3A_227, %mul3A_230 : i32
      %add3A_232 = arith.addi %mul3A_2, %mul3A_231 : i32
      %jit3A_233 = arith.constant 8192 : i32
      %div3A_234 = arith.divsi %add3A_232, %jit3A_233 : i32
      %sign3A_235 = arith.constant 0 : i32
      %sign3A_236 = arith.cmpi sgt, %add3A_232, %sign3A_235 : i32
      %sign3A_237 = arith.extui %sign3A_236 : i1 to i32
      %sign3A_238 = arith.constant 0 : i32
      %sign3A_239 = arith.cmpi slt, %add3A_232, %sign3A_238 : i32
      %sign3A_240 = arith.extui %sign3A_239 : i1 to i32
      %sign3A_241 = arith.subi %sign3A_237, %sign3A_240 : i32
      %sign3A_242 = arith.constant 0 : i32
      %sign3A_243 = arith.cmpi sgt, %jit3A_233, %sign3A_242 : i32
      %sign3A_244 = arith.extui %sign3A_243 : i1 to i32
      %sign3A_245 = arith.constant 0 : i32
      %sign3A_246 = arith.cmpi slt, %jit3A_233, %sign3A_245 : i32
      %sign3A_247 = arith.extui %sign3A_246 : i1 to i32
      %sign3A_248 = arith.subi %sign3A_244, %sign3A_247 : i32
      %ne3A_249 = arith.cmpi ne, %sign3A_241, %sign3A_248 : i32
      %rem3A_250 = arith.remsi %add3A_232, %jit3A_233 : i32
      %ne3A_251 = arith.constant 0 : i32
      %ne3A_252 = arith.cmpi ne, %rem3A_250, %ne3A_251 : i32
      %and3A_253 = arith.andi %ne3A_249, %ne3A_252 : i1
      %sub3A_254 = arith.constant 1 : i32
      %sub3A_255 = arith.subi %div3A_234, %sub3A_254 : i32
      %select_n3A_256 = arith.select %and3A_253, %sub3A_255, %div3A_234 : i32
      %jit3A_257 = arith.constant 8192 : i32
      %eq3A_258 = arith.constant 0 : i32
      %eq3A_259 = arith.cmpi eq, %jit3A_257, %eq3A_258 : i32
      %jit3A_260 = arith.constant 1 : i32
      %select_n3A_261 = arith.select %eq3A_259, %jit3A_260, %jit3A_257 : i32
      %rem3A_262 = arith.remsi %add3A_232, %select_n3A_261 : i32
      %ne3A_263 = arith.constant 0 : i32
      %ne3A_264 = arith.cmpi ne, %rem3A_262, %ne3A_263 : i32
      %lt3A_265 = arith.constant 0 : i32
      %lt3A_266 = arith.cmpi slt, %rem3A_262, %lt3A_265 : i32
      %lt3A_267 = arith.constant 0 : i32
      %lt3A_268 = arith.cmpi slt, %select_n3A_261, %lt3A_267 : i32
      %ne3A_269 = arith.xori %lt3A_266, %lt3A_268 : i1
      %and3A_270 = arith.andi %ne3A_269, %ne3A_264 : i1
      %add3A_271 = arith.addi %rem3A_262, %select_n3A_261 : i32
      %select_n3A_272 = arith.select %and3A_270, %add3A_271, %rem3A_262 : i32
      %jit3A_273 = arith.constant 4096 : i32
      %eq3A_274 = arith.constant 0 : i32
      %eq3A_275 = arith.cmpi eq, %jit3A_273, %eq3A_274 : i32
      %jit3A_276 = arith.constant 1 : i32
      %select_n3A_277 = arith.select %eq3A_275, %jit3A_276, %jit3A_273 : i32
      %rem3A_278 = arith.remsi %select_n3A_272, %select_n3A_277 : i32
      %ne3A_279 = arith.constant 0 : i32
      %ne3A_280 = arith.cmpi ne, %rem3A_278, %ne3A_279 : i32
      %lt3A_281 = arith.constant 0 : i32
      %lt3A_282 = arith.cmpi slt, %rem3A_278, %lt3A_281 : i32
      %lt3A_283 = arith.constant 0 : i32
      %lt3A_284 = arith.cmpi slt, %select_n3A_277, %lt3A_283 : i32
      %ne3A_285 = arith.xori %lt3A_282, %lt3A_284 : i1
      %and3A_286 = arith.andi %ne3A_285, %ne3A_280 : i1
      %add3A_287 = arith.addi %rem3A_278, %select_n3A_277 : i32
      %select_n3A_288 = arith.select %and3A_286, %add3A_287, %rem3A_278 : i32
      %sub3A_289 = arith.subi %select_n3A_272, %select_n3A_288 : i32
      %mul3A_290 = arith.constant 2 : i32
      %mul3A_291 = arith.muli %sub3A_289, %mul3A_290 : i32
      %jit3A_292 = arith.constant 4096 : i32
      %eq3A_293 = arith.constant 0 : i32
      %eq3A_294 = arith.cmpi eq, %jit3A_292, %eq3A_293 : i32
      %jit3A_295 = arith.constant 1 : i32
      %select_n3A_296 = arith.select %eq3A_294, %jit3A_295, %jit3A_292 : i32
      %rem3A_297 = arith.remsi %select_n3A_272, %select_n3A_296 : i32
      %ne3A_298 = arith.constant 0 : i32
      %ne3A_299 = arith.cmpi ne, %rem3A_297, %ne3A_298 : i32
      %lt3A_300 = arith.constant 0 : i32
      %lt3A_301 = arith.cmpi slt, %rem3A_297, %lt3A_300 : i32
      %lt3A_302 = arith.constant 0 : i32
      %lt3A_303 = arith.cmpi slt, %select_n3A_296, %lt3A_302 : i32
      %ne3A_304 = arith.xori %lt3A_301, %lt3A_303 : i1
      %and3A_305 = arith.andi %ne3A_304, %ne3A_299 : i1
      %add3A_306 = arith.addi %rem3A_297, %select_n3A_296 : i32
      %select_n3A_307 = arith.select %and3A_305, %add3A_306, %rem3A_297 : i32
      %add3A_308 = arith.addi %mul3A_291, %select_n3A_307 : i32
      %multiple_of3A_309 = tpu.assume_multiple %add3A_308, 256 : i32
      "tpu.region"() ({
        %run_scoped3A = tpu.sem_alloc : memref<!tpu.dma_semaphore, #tpu.memory_space<semaphore_mem>>
        %dma_start3A_369 = tpu.memref_slice %arg3[%select_n3A_256, %multiple_of3A_309] : memref<50x16384xi32, #tpu.memory_space<hbm>> -> memref<1x256xi32, #tpu.memory_space<hbm>>
        %dma_start3A_370 = tpu.memref_squeeze %dma_start3A_369 : memref<1x256xi32, #tpu.memory_space<hbm>> -> memref<256xi32, #tpu.memory_space<hbm>>
        %dma_start3A_371 = tpu.memref_slice %arg3[%select_n3A_256, %multiple_of3A_309] : memref<50x16384xi32, #tpu.memory_space<hbm>> -> memref<1x256xi32, #tpu.memory_space<hbm>>
        %dma_start3A_372 = tpu.memref_squeeze %dma_start3A_371 : memref<1x256xi32, #tpu.memory_space<hbm>> -> memref<256xi32, #tpu.memory_space<hbm>>
        tpu.enqueue_dma source(%dma_start3A_372 : memref<256xi32, #tpu.memory_space<hbm>>) target(%arg9 : memref<256xi32, #tpu.memory_space<vmem>>) target_semaphore(%run_scoped3A : memref<!tpu.dma_semaphore, #tpu.memory_space<semaphore_mem>>)
        %dma_wait3A_373 = tpu.memref_slice %arg3[%select_n3A_256, %multiple_of3A_309] : memref<50x16384xi32, #tpu.memory_space<hbm>> -> memref<1x256xi32, #tpu.memory_space<hbm>>
        %dma_wait3A_374 = tpu.memref_squeeze %dma_wait3A_373 : memref<1x256xi32, #tpu.memory_space<hbm>> -> memref<256xi32, #tpu.memory_space<hbm>>
        %dma_wait3A_375 = tpu.memref_slice %arg3[%select_n3A_256, %multiple_of3A_309] : memref<50x16384xi32, #tpu.memory_space<hbm>> -> memref<1x256xi32, #tpu.memory_space<hbm>>
        %dma_wait3A_376 = tpu.memref_squeeze %dma_wait3A_375 : memref<1x256xi32, #tpu.memory_space<hbm>> -> memref<256xi32, #tpu.memory_space<hbm>>
        tpu.wait_dma2 semaphore(%run_scoped3A : memref<!tpu.dma_semaphore, #tpu.memory_space<semaphore_mem>>) src(%dma_wait3A_376 : memref<256xi32, #tpu.memory_space<hbm>>) dst(%arg9 : memref<256xi32, #tpu.memory_space<vmem>>)
        tpu.yield
      }) : () -> ()
      %add3A_310 = arith.constant 4096 : i32
      %add3A_311 = arith.addi %multiple_of3A_309, %add3A_310 : i32
      "tpu.region"() ({
        %run_scoped3A = tpu.sem_alloc : memref<!tpu.dma_semaphore, #tpu.memory_space<semaphore_mem>>
        %dma_start3A_369 = tpu.memref_slice %arg3[%select_n3A_256, %add3A_311] : memref<50x16384xi32, #tpu.memory_space<hbm>> -> memref<1x256xi32, #tpu.memory_space<hbm>>
        %dma_start3A_370 = tpu.memref_squeeze %dma_start3A_369 : memref<1x256xi32, #tpu.memory_space<hbm>> -> memref<256xi32, #tpu.memory_space<hbm>>
        %dma_start3A_371 = tpu.memref_slice %arg3[%select_n3A_256, %add3A_311] : memref<50x16384xi32, #tpu.memory_space<hbm>> -> memref<1x256xi32, #tpu.memory_space<hbm>>
        %dma_start3A_372 = tpu.memref_squeeze %dma_start3A_371 : memref<1x256xi32, #tpu.memory_space<hbm>> -> memref<256xi32, #tpu.memory_space<hbm>>
        tpu.enqueue_dma source(%dma_start3A_372 : memref<256xi32, #tpu.memory_space<hbm>>) target(%arg10 : memref<256xi32, #tpu.memory_space<vmem>>) target_semaphore(%run_scoped3A : memref<!tpu.dma_semaphore, #tpu.memory_space<semaphore_mem>>)
        %dma_wait3A_373 = tpu.memref_slice %arg3[%select_n3A_256, %add3A_311] : memref<50x16384xi32, #tpu.memory_space<hbm>> -> memref<1x256xi32, #tpu.memory_space<hbm>>
        %dma_wait3A_374 = tpu.memref_squeeze %dma_wait3A_373 : memref<1x256xi32, #tpu.memory_space<hbm>> -> memref<256xi32, #tpu.memory_space<hbm>>
        %dma_wait3A_375 = tpu.memref_slice %arg3[%select_n3A_256, %add3A_311] : memref<50x16384xi32, #tpu.memory_space<hbm>> -> memref<1x256xi32, #tpu.memory_space<hbm>>
        %dma_wait3A_376 = tpu.memref_squeeze %dma_wait3A_375 : memref<1x256xi32, #tpu.memory_space<hbm>> -> memref<256xi32, #tpu.memory_space<hbm>>
        tpu.wait_dma2 semaphore(%run_scoped3A : memref<!tpu.dma_semaphore, #tpu.memory_space<semaphore_mem>>) src(%dma_wait3A_376 : memref<256xi32, #tpu.memory_space<hbm>>) dst(%arg10 : memref<256xi32, #tpu.memory_space<vmem>>)
        tpu.yield
      }) : () -> ()
      %dma_start3A_312 = arith.constant 0 : i32
      %dma_start3A_313 = arith.constant 0 : i32
      %dma_start3A_314 = tpu.memref_slice %arg5[%dma_start3A_312, %dma_start3A_313] : memref<1000000x64xf32, #tpu.memory_space<hbm>> -> memref<1000000x64xf32, #tpu.memory_space<hbm>>
      tpu.enqueue_indirect_dma source(%dma_start3A_314 : memref<1000000x64xf32, #tpu.memory_space<hbm>>) target(%arg13 : memref<256x64xf32, #tpu.memory_space<vmem>>) offsets(%arg9 : memref<256xi32, #tpu.memory_space<vmem>>) semaphore(%arg15 : memref<!tpu.dma_semaphore, #tpu.memory_space<semaphore_mem>>)
      %dma_start3A_315 = arith.constant 0 : i32
      %dma_start3A_316 = arith.constant 0 : i32
      %dma_start3A_317 = tpu.memref_slice %arg5[%dma_start3A_315, %dma_start3A_316] : memref<1000000x64xf32, #tpu.memory_space<hbm>> -> memref<1000000x64xf32, #tpu.memory_space<hbm>>
      tpu.enqueue_indirect_dma source(%dma_start3A_317 : memref<1000000x64xf32, #tpu.memory_space<hbm>>) target(%arg14 : memref<256x64xf32, #tpu.memory_space<vmem>>) offsets(%arg10 : memref<256xi32, #tpu.memory_space<vmem>>) semaphore(%arg15 : memref<!tpu.dma_semaphore, #tpu.memory_space<semaphore_mem>>)
      %dma_wait3A_318 = arith.constant 0 : i32
      %dma_wait3A_319 = arith.constant 0 : i32
      %dma_wait3A_320 = tpu.memref_slice %arg5[%dma_wait3A_318, %dma_wait3A_319] : memref<1000000x64xf32, #tpu.memory_space<hbm>> -> memref<1000000x64xf32, #tpu.memory_space<hbm>>
      tpu.wait_indirect_dma semaphore(%arg15 : memref<!tpu.dma_semaphore, #tpu.memory_space<semaphore_mem>>) src(%dma_wait3A_320 : memref<1000000x64xf32, #tpu.memory_space<hbm>>) dst(%arg11 : memref<256x64xf32, #tpu.memory_space<vmem>>)
      %dma_wait3A_321 = arith.constant 0 : i32
      %dma_wait3A_322 = arith.constant 0 : i32
      %dma_wait3A_323 = tpu.memref_slice %arg5[%dma_wait3A_321, %dma_wait3A_322] : memref<1000000x64xf32, #tpu.memory_space<hbm>> -> memref<1000000x64xf32, #tpu.memory_space<hbm>>
      tpu.wait_indirect_dma semaphore(%arg15 : memref<!tpu.dma_semaphore, #tpu.memory_space<semaphore_mem>>) src(%dma_wait3A_323 : memref<1000000x64xf32, #tpu.memory_space<hbm>>) dst(%arg12 : memref<256x64xf32, #tpu.memory_space<vmem>>)
      %mul3A_324 = arith.constant 2 : i32
      %mul3A_325 = arith.muli %mul3A_324, %scan3A_223 : i32
      %add3A_326 = arith.constant 409600 : i32
      %add3A_327 = arith.addi %add3A_326, %mul3A_2 : i32
      %mul3A_328 = arith.constant 256 : i32
      %mul3A_329 = arith.muli %mul3A_325, %mul3A_328 : i32
      %add3A_330 = arith.addi %add3A_327, %mul3A_329 : i32
      %multiple_of3A_331 = tpu.assume_multiple %add3A_330, 256 : i32
      %dma_start3A_332 = arith.constant 0 : i32
      %dma_start3A_333 = tpu.memref_slice %arg6[%multiple_of3A_331, %dma_start3A_332] : memref<819200x128xf32, #tpu.memory_space<hbm>> -> memref<256x64xf32, #tpu.memory_space<hbm>>
      %dma_start3A_334 = arith.constant 0 : i32
      %dma_start3A_335 = tpu.memref_slice %arg6[%multiple_of3A_331, %dma_start3A_334] : memref<819200x128xf32, #tpu.memory_space<hbm>> -> memref<256x64xf32, #tpu.memory_space<hbm>>
      tpu.enqueue_dma source(%arg11 : memref<256x64xf32, #tpu.memory_space<vmem>>) target(%dma_start3A_335 : memref<256x64xf32, #tpu.memory_space<hbm>>) target_semaphore(%arg16 : memref<!tpu.dma_semaphore, #tpu.memory_space<semaphore_mem>>)
      %dma_start3A_336 = arith.constant 64 : i32
      %dma_start3A_337 = tpu.memref_slice %arg6[%multiple_of3A_331, %dma_start3A_336] : memref<819200x128xf32, #tpu.memory_space<hbm>> -> memref<256x64xf32, #tpu.memory_space<hbm>>
      %dma_start3A_338 = arith.constant 64 : i32
      %dma_start3A_339 = tpu.memref_slice %arg6[%multiple_of3A_331, %dma_start3A_338] : memref<819200x128xf32, #tpu.memory_space<hbm>> -> memref<256x64xf32, #tpu.memory_space<hbm>>
      tpu.enqueue_dma source(%arg12 : memref<256x64xf32, #tpu.memory_space<vmem>>) target(%dma_start3A_339 : memref<256x64xf32, #tpu.memory_space<hbm>>) target_semaphore(%arg16 : memref<!tpu.dma_semaphore, #tpu.memory_space<semaphore_mem>>)
      %lt3A_340 = arith.constant 24 : i32
      %lt3A_341 = arith.cmpi slt, %scan3A_223, %lt3A_340 : i32
      %convert_element_type3A_342 = arith.extui %lt3A_341 : i1 to i32
      %cond3A_343 = arith.constant 0 : i32
      %cond3A_344 = arith.cmpi ne, %convert_element_type3A_342, %cond3A_343 : i32
      scf.if %cond3A_344 {
        %dma_wait3A_369 = arith.constant 409600 : i32
        %dma_wait3A_370 = arith.constant 0 : i32
        %dma_wait3A_371 = tpu.memref_slice %arg6[%dma_wait3A_369, %dma_wait3A_370] : memref<819200x128xf32, #tpu.memory_space<hbm>> -> memref<256x64xf32, #tpu.memory_space<hbm>>
        %dma_wait3A_372 = arith.constant 409600 : i32
        %dma_wait3A_373 = arith.constant 0 : i32
        %dma_wait3A_374 = tpu.memref_slice %arg6[%dma_wait3A_372, %dma_wait3A_373] : memref<819200x128xf32, #tpu.memory_space<hbm>> -> memref<256x64xf32, #tpu.memory_space<hbm>>
        tpu.wait_dma2 semaphore(%arg16 : memref<!tpu.dma_semaphore, #tpu.memory_space<semaphore_mem>>) src(%arg11 : memref<256x64xf32, #tpu.memory_space<vmem>>) dst(%dma_wait3A_374 : memref<256x64xf32, #tpu.memory_space<hbm>>)
        %dma_wait3A_375 = arith.constant 409600 : i32
        %dma_wait3A_376 = arith.constant 64 : i32
        %dma_wait3A_377 = tpu.memref_slice %arg6[%dma_wait3A_375, %dma_wait3A_376] : memref<819200x128xf32, #tpu.memory_space<hbm>> -> memref<256x64xf32, #tpu.memory_space<hbm>>
        %dma_wait3A_378 = arith.constant 409600 : i32
        %dma_wait3A_379 = arith.constant 64 : i32
        %dma_wait3A_380 = tpu.memref_slice %arg6[%dma_wait3A_378, %dma_wait3A_379] : memref<819200x128xf32, #tpu.memory_space<hbm>> -> memref<256x64xf32, #tpu.memory_space<hbm>>
        tpu.wait_dma2 semaphore(%arg16 : memref<!tpu.dma_semaphore, #tpu.memory_space<semaphore_mem>>) src(%arg12 : memref<256x64xf32, #tpu.memory_space<vmem>>) dst(%dma_wait3A_380 : memref<256x64xf32, #tpu.memory_space<hbm>>)
        %mul3A_381 = arith.constant 2 : i32
        %mul3A_382 = arith.muli %mul3A_381, %scan3A_223 : i32
        %add3A_383 = arith.constant 2 : i32
        %add3A_384 = arith.addi %mul3A_382, %add3A_383 : i32
        %mul3A_385 = arith.constant 256 : i32
        %mul3A_386 = arith.muli %add3A_384, %mul3A_385 : i32
        %add3A_387 = arith.addi %mul3A_2, %mul3A_386 : i32
        %jit3A_388 = arith.constant 8192 : i32
        %div3A_389 = arith.divsi %add3A_387, %jit3A_388 : i32
        %sign3A_390 = arith.constant 0 : i32
        %sign3A_391 = arith.cmpi sgt, %add3A_387, %sign3A_390 : i32
        %sign3A_392 = arith.extui %sign3A_391 : i1 to i32
        %sign3A_393 = arith.constant 0 : i32
        %sign3A_394 = arith.cmpi slt, %add3A_387, %sign3A_393 : i32
        %sign3A_395 = arith.extui %sign3A_394 : i1 to i32
        %sign3A_396 = arith.subi %sign3A_392, %sign3A_395 : i32
        %sign3A_397 = arith.constant 0 : i32
        %sign3A_398 = arith.cmpi sgt, %jit3A_388, %sign3A_397 : i32
        %sign3A_399 = arith.extui %sign3A_398 : i1 to i32
        %sign3A_400 = arith.constant 0 : i32
        %sign3A_401 = arith.cmpi slt, %jit3A_388, %sign3A_400 : i32
        %sign3A_402 = arith.extui %sign3A_401 : i1 to i32
        %sign3A_403 = arith.subi %sign3A_399, %sign3A_402 : i32
        %ne3A_404 = arith.cmpi ne, %sign3A_396, %sign3A_403 : i32
        %rem3A_405 = arith.remsi %add3A_387, %jit3A_388 : i32
        %ne3A_406 = arith.constant 0 : i32
        %ne3A_407 = arith.cmpi ne, %rem3A_405, %ne3A_406 : i32
        %and3A_408 = arith.andi %ne3A_404, %ne3A_407 : i1
        %sub3A_409 = arith.constant 1 : i32
        %sub3A_410 = arith.subi %div3A_389, %sub3A_409 : i32
        %select_n3A_411 = arith.select %and3A_408, %sub3A_410, %div3A_389 : i32
        %jit3A_412 = arith.constant 8192 : i32
        %eq3A_413 = arith.constant 0 : i32
        %eq3A_414 = arith.cmpi eq, %jit3A_412, %eq3A_413 : i32
        %jit3A_415 = arith.constant 1 : i32
        %select_n3A_416 = arith.select %eq3A_414, %jit3A_415, %jit3A_412 : i32
        %rem3A_417 = arith.remsi %add3A_387, %select_n3A_416 : i32
        %ne3A_418 = arith.constant 0 : i32
        %ne3A_419 = arith.cmpi ne, %rem3A_417, %ne3A_418 : i32
        %lt3A_420 = arith.constant 0 : i32
        %lt3A_421 = arith.cmpi slt, %rem3A_417, %lt3A_420 : i32
        %lt3A_422 = arith.constant 0 : i32
        %lt3A_423 = arith.cmpi slt, %select_n3A_416, %lt3A_422 : i32
        %ne3A_424 = arith.xori %lt3A_421, %lt3A_423 : i1
        %and3A_425 = arith.andi %ne3A_424, %ne3A_419 : i1
        %add3A_426 = arith.addi %rem3A_417, %select_n3A_416 : i32
        %select_n3A_427 = arith.select %and3A_425, %add3A_426, %rem3A_417 : i32
        %jit3A_428 = arith.constant 4096 : i32
        %eq3A_429 = arith.constant 0 : i32
        %eq3A_430 = arith.cmpi eq, %jit3A_428, %eq3A_429 : i32
        %jit3A_431 = arith.constant 1 : i32
        %select_n3A_432 = arith.select %eq3A_430, %jit3A_431, %jit3A_428 : i32
        %rem3A_433 = arith.remsi %select_n3A_427, %select_n3A_432 : i32
        %ne3A_434 = arith.constant 0 : i32
        %ne3A_435 = arith.cmpi ne, %rem3A_433, %ne3A_434 : i32
        %lt3A_436 = arith.constant 0 : i32
        %lt3A_437 = arith.cmpi slt, %rem3A_433, %lt3A_436 : i32
        %lt3A_438 = arith.constant 0 : i32
        %lt3A_439 = arith.cmpi slt, %select_n3A_432, %lt3A_438 : i32
        %ne3A_440 = arith.xori %lt3A_437, %lt3A_439 : i1
        %and3A_441 = arith.andi %ne3A_440, %ne3A_435 : i1
        %add3A_442 = arith.addi %rem3A_433, %select_n3A_432 : i32
        %select_n3A_443 = arith.select %and3A_441, %add3A_442, %rem3A_433 : i32
        %sub3A_444 = arith.subi %select_n3A_427, %select_n3A_443 : i32
        %mul3A_445 = arith.constant 2 : i32
        %mul3A_446 = arith.muli %sub3A_444, %mul3A_445 : i32
        %jit3A_447 = arith.constant 4096 : i32
        %eq3A_448 = arith.constant 0 : i32
        %eq3A_449 = arith.cmpi eq, %jit3A_447, %eq3A_448 : i32
        %jit3A_450 = arith.constant 1 : i32
        %select_n3A_451 = arith.select %eq3A_449, %jit3A_450, %jit3A_447 : i32
        %rem3A_452 = arith.remsi %select_n3A_427, %select_n3A_451 : i32
        %ne3A_453 = arith.constant 0 : i32
        %ne3A_454 = arith.cmpi ne, %rem3A_452, %ne3A_453 : i32
        %lt3A_455 = arith.constant 0 : i32
        %lt3A_456 = arith.cmpi slt, %rem3A_452, %lt3A_455 : i32
        %lt3A_457 = arith.constant 0 : i32
        %lt3A_458 = arith.cmpi slt, %select_n3A_451, %lt3A_457 : i32
        %ne3A_459 = arith.xori %lt3A_456, %lt3A_458 : i1
        %and3A_460 = arith.andi %ne3A_459, %ne3A_454 : i1
        %add3A_461 = arith.addi %rem3A_452, %select_n3A_451 : i32
        %select_n3A_462 = arith.select %and3A_460, %add3A_461, %rem3A_452 : i32
        %add3A_463 = arith.addi %mul3A_446, %select_n3A_462 : i32
        %multiple_of3A_464 = tpu.assume_multiple %add3A_463, 256 : i32
        "tpu.region"() ({
          %run_scoped3A = tpu.sem_alloc : memref<!tpu.dma_semaphore, #tpu.memory_space<semaphore_mem>>
          %dma_start3A_473 = tpu.memref_slice %arg3[%select_n3A_411, %multiple_of3A_464] : memref<50x16384xi32, #tpu.memory_space<hbm>> -> memref<1x256xi32, #tpu.memory_space<hbm>>
          %dma_start3A_474 = tpu.memref_squeeze %dma_start3A_473 : memref<1x256xi32, #tpu.memory_space<hbm>> -> memref<256xi32, #tpu.memory_space<hbm>>
          %dma_start3A_475 = tpu.memref_slice %arg3[%select_n3A_411, %multiple_of3A_464] : memref<50x16384xi32, #tpu.memory_space<hbm>> -> memref<1x256xi32, #tpu.memory_space<hbm>>
          %dma_start3A_476 = tpu.memref_squeeze %dma_start3A_475 : memref<1x256xi32, #tpu.memory_space<hbm>> -> memref<256xi32, #tpu.memory_space<hbm>>
          tpu.enqueue_dma source(%dma_start3A_476 : memref<256xi32, #tpu.memory_space<hbm>>) target(%arg7 : memref<256xi32, #tpu.memory_space<vmem>>) target_semaphore(%run_scoped3A : memref<!tpu.dma_semaphore, #tpu.memory_space<semaphore_mem>>)
          %dma_wait3A_477 = tpu.memref_slice %arg3[%select_n3A_411, %multiple_of3A_464] : memref<50x16384xi32, #tpu.memory_space<hbm>> -> memref<1x256xi32, #tpu.memory_space<hbm>>
          %dma_wait3A_478 = tpu.memref_squeeze %dma_wait3A_477 : memref<1x256xi32, #tpu.memory_space<hbm>> -> memref<256xi32, #tpu.memory_space<hbm>>
          %dma_wait3A_479 = tpu.memref_slice %arg3[%select_n3A_411, %multiple_of3A_464] : memref<50x16384xi32, #tpu.memory_space<hbm>> -> memref<1x256xi32, #tpu.memory_space<hbm>>
          %dma_wait3A_480 = tpu.memref_squeeze %dma_wait3A_479 : memref<1x256xi32, #tpu.memory_space<hbm>> -> memref<256xi32, #tpu.memory_space<hbm>>
          tpu.wait_dma2 semaphore(%run_scoped3A : memref<!tpu.dma_semaphore, #tpu.memory_space<semaphore_mem>>) src(%dma_wait3A_480 : memref<256xi32, #tpu.memory_space<hbm>>) dst(%arg7 : memref<256xi32, #tpu.memory_space<vmem>>)
          tpu.yield
        }) : () -> ()
        %add3A_465 = arith.constant 4096 : i32
        %add3A_466 = arith.addi %multiple_of3A_464, %add3A_465 : i32
        "tpu.region"() ({
          %run_scoped3A = tpu.sem_alloc : memref<!tpu.dma_semaphore, #tpu.memory_space<semaphore_mem>>
          %dma_start3A_473 = tpu.memref_slice %arg3[%select_n3A_411, %add3A_466] : memref<50x16384xi32, #tpu.memory_space<hbm>> -> memref<1x256xi32, #tpu.memory_space<hbm>>
          %dma_start3A_474 = tpu.memref_squeeze %dma_start3A_473 : memref<1x256xi32, #tpu.memory_space<hbm>> -> memref<256xi32, #tpu.memory_space<hbm>>
          %dma_start3A_475 = tpu.memref_slice %arg3[%select_n3A_411, %add3A_466] : memref<50x16384xi32, #tpu.memory_space<hbm>> -> memref<1x256xi32, #tpu.memory_space<hbm>>
          %dma_start3A_476 = tpu.memref_squeeze %dma_start3A_475 : memref<1x256xi32, #tpu.memory_space<hbm>> -> memref<256xi32, #tpu.memory_space<hbm>>
          tpu.enqueue_dma source(%dma_start3A_476 : memref<256xi32, #tpu.memory_space<hbm>>) target(%arg8 : memref<256xi32, #tpu.memory_space<vmem>>) target_semaphore(%run_scoped3A : memref<!tpu.dma_semaphore, #tpu.memory_space<semaphore_mem>>)
          %dma_wait3A_477 = tpu.memref_slice %arg3[%select_n3A_411, %add3A_466] : memref<50x16384xi32, #tpu.memory_space<hbm>> -> memref<1x256xi32, #tpu.memory_space<hbm>>
          %dma_wait3A_478 = tpu.memref_squeeze %dma_wait3A_477 : memref<1x256xi32, #tpu.memory_space<hbm>> -> memref<256xi32, #tpu.memory_space<hbm>>
          %dma_wait3A_479 = tpu.memref_slice %arg3[%select_n3A_411, %add3A_466] : memref<50x16384xi32, #tpu.memory_space<hbm>> -> memref<1x256xi32, #tpu.memory_space<hbm>>
          %dma_wait3A_480 = tpu.memref_squeeze %dma_wait3A_479 : memref<1x256xi32, #tpu.memory_space<hbm>> -> memref<256xi32, #tpu.memory_space<hbm>>
          tpu.wait_dma2 semaphore(%run_scoped3A : memref<!tpu.dma_semaphore, #tpu.memory_space<semaphore_mem>>) src(%dma_wait3A_480 : memref<256xi32, #tpu.memory_space<hbm>>) dst(%arg8 : memref<256xi32, #tpu.memory_space<vmem>>)
          tpu.yield
        }) : () -> ()
        %dma_start3A_467 = arith.constant 0 : i32
        %dma_start3A_468 = arith.constant 0 : i32
        %dma_start3A_469 = tpu.memref_slice %arg5[%dma_start3A_467, %dma_start3A_468] : memref<1000000x64xf32, #tpu.memory_space<hbm>> -> memref<1000000x64xf32, #tpu.memory_space<hbm>>
        tpu.enqueue_indirect_dma source(%dma_start3A_469 : memref<1000000x64xf32, #tpu.memory_space<hbm>>) target(%arg11 : memref<256x64xf32, #tpu.memory_space<vmem>>) offsets(%arg7 : memref<256xi32, #tpu.memory_space<vmem>>) semaphore(%arg15 : memref<!tpu.dma_semaphore, #tpu.memory_space<semaphore_mem>>)
        %dma_start3A_470 = arith.constant 0 : i32
        %dma_start3A_471 = arith.constant 0 : i32
        %dma_start3A_472 = tpu.memref_slice %arg5[%dma_start3A_470, %dma_start3A_471] : memref<1000000x64xf32, #tpu.memory_space<hbm>> -> memref<1000000x64xf32, #tpu.memory_space<hbm>>
        tpu.enqueue_indirect_dma source(%dma_start3A_472 : memref<1000000x64xf32, #tpu.memory_space<hbm>>) target(%arg12 : memref<256x64xf32, #tpu.memory_space<vmem>>) offsets(%arg8 : memref<256xi32, #tpu.memory_space<vmem>>) semaphore(%arg15 : memref<!tpu.dma_semaphore, #tpu.memory_space<semaphore_mem>>)
      } else {
      }
      %dma_wait3A_345 = arith.constant 0 : i32
      %dma_wait3A_346 = arith.constant 0 : i32
      %dma_wait3A_347 = tpu.memref_slice %arg5[%dma_wait3A_345, %dma_wait3A_346] : memref<1000000x64xf32, #tpu.memory_space<hbm>> -> memref<1000000x64xf32, #tpu.memory_space<hbm>>
      tpu.wait_indirect_dma semaphore(%arg15 : memref<!tpu.dma_semaphore, #tpu.memory_space<semaphore_mem>>) src(%dma_wait3A_347 : memref<1000000x64xf32, #tpu.memory_space<hbm>>) dst(%arg13 : memref<256x64xf32, #tpu.memory_space<vmem>>)
      %dma_wait3A_348 = arith.constant 0 : i32
      %dma_wait3A_349 = arith.constant 0 : i32
      %dma_wait3A_350 = tpu.memref_slice %arg5[%dma_wait3A_348, %dma_wait3A_349] : memref<1000000x64xf32, #tpu.memory_space<hbm>> -> memref<1000000x64xf32, #tpu.memory_space<hbm>>
      tpu.wait_indirect_dma semaphore(%arg15 : memref<!tpu.dma_semaphore, #tpu.memory_space<semaphore_mem>>) src(%dma_wait3A_350 : memref<1000000x64xf32, #tpu.memory_space<hbm>>) dst(%arg14 : memref<256x64xf32, #tpu.memory_space<vmem>>)
      %mul3A_351 = arith.constant 2 : i32
      %mul3A_352 = arith.muli %mul3A_351, %scan3A_223 : i32
      %add3A_353 = arith.constant 1 : i32
      %add3A_354 = arith.addi %mul3A_352, %add3A_353 : i32
      %add3A_355 = arith.constant 409600 : i32
      %add3A_356 = arith.addi %add3A_355, %mul3A_2 : i32
      %mul3A_357 = arith.constant 256 : i32
      %mul3A_358 = arith.muli %add3A_354, %mul3A_357 : i32
      %add3A_359 = arith.addi %add3A_356, %mul3A_358 : i32
      %multiple_of3A_360 = tpu.assume_multiple %add3A_359, 256 : i32
      %dma_start3A_361 = arith.constant 0 : i32
      %dma_start3A_362 = tpu.memref_slice %arg6[%multiple_of3A_360, %dma_start3A_361] : memref<819200x128xf32, #tpu.memory_space<hbm>> -> memref<256x64xf32, #tpu.memory_space<hbm>>
      %dma_start3A_363 = arith.constant 0 : i32
      %dma_start3A_364 = tpu.memref_slice %arg6[%multiple_of3A_360, %dma_start3A_363] : memref<819200x128xf32, #tpu.memory_space<hbm>> -> memref<256x64xf32, #tpu.memory_space<hbm>>
      tpu.enqueue_dma source(%arg13 : memref<256x64xf32, #tpu.memory_space<vmem>>) target(%dma_start3A_364 : memref<256x64xf32, #tpu.memory_space<hbm>>) target_semaphore(%arg16 : memref<!tpu.dma_semaphore, #tpu.memory_space<semaphore_mem>>)
      %dma_start3A_365 = arith.constant 64 : i32
      %dma_start3A_366 = tpu.memref_slice %arg6[%multiple_of3A_360, %dma_start3A_365] : memref<819200x128xf32, #tpu.memory_space<hbm>> -> memref<256x64xf32, #tpu.memory_space<hbm>>
      %dma_start3A_367 = arith.constant 64 : i32
      %dma_start3A_368 = tpu.memref_slice %arg6[%multiple_of3A_360, %dma_start3A_367] : memref<819200x128xf32, #tpu.memory_space<hbm>> -> memref<256x64xf32, #tpu.memory_space<hbm>>
      tpu.enqueue_dma source(%arg14 : memref<256x64xf32, #tpu.memory_space<vmem>>) target(%dma_start3A_368 : memref<256x64xf32, #tpu.memory_space<hbm>>) target_semaphore(%arg16 : memref<!tpu.dma_semaphore, #tpu.memory_space<semaphore_mem>>)
    }
    %scan3A_198 = arith.constant 25 : i32
    %dma_wait3A_199 = arith.constant 409600 : i32
    %dma_wait3A_200 = arith.constant 0 : i32
    %dma_wait3A_201 = tpu.memref_slice %arg6[%dma_wait3A_199, %dma_wait3A_200] : memref<819200x128xf32, #tpu.memory_space<hbm>> -> memref<256x64xf32, #tpu.memory_space<hbm>>
    %dma_wait3A_202 = arith.constant 409600 : i32
    %dma_wait3A_203 = arith.constant 0 : i32
    %dma_wait3A_204 = tpu.memref_slice %arg6[%dma_wait3A_202, %dma_wait3A_203] : memref<819200x128xf32, #tpu.memory_space<hbm>> -> memref<256x64xf32, #tpu.memory_space<hbm>>
    tpu.wait_dma2 semaphore(%arg16 : memref<!tpu.dma_semaphore, #tpu.memory_space<semaphore_mem>>) src(%arg11 : memref<256x64xf32, #tpu.memory_space<vmem>>) dst(%dma_wait3A_204 : memref<256x64xf32, #tpu.memory_space<hbm>>)
    %dma_wait3A_205 = arith.constant 409600 : i32
    %dma_wait3A_206 = arith.constant 64 : i32
    %dma_wait3A_207 = tpu.memref_slice %arg6[%dma_wait3A_205, %dma_wait3A_206] : memref<819200x128xf32, #tpu.memory_space<hbm>> -> memref<256x64xf32, #tpu.memory_space<hbm>>
    %dma_wait3A_208 = arith.constant 409600 : i32
    %dma_wait3A_209 = arith.constant 64 : i32
    %dma_wait3A_210 = tpu.memref_slice %arg6[%dma_wait3A_208, %dma_wait3A_209] : memref<819200x128xf32, #tpu.memory_space<hbm>> -> memref<256x64xf32, #tpu.memory_space<hbm>>
    tpu.wait_dma2 semaphore(%arg16 : memref<!tpu.dma_semaphore, #tpu.memory_space<semaphore_mem>>) src(%arg12 : memref<256x64xf32, #tpu.memory_space<vmem>>) dst(%dma_wait3A_210 : memref<256x64xf32, #tpu.memory_space<hbm>>)
    %dma_wait3A_211 = arith.constant 409600 : i32
    %dma_wait3A_212 = arith.constant 0 : i32
    %dma_wait3A_213 = tpu.memref_slice %arg6[%dma_wait3A_211, %dma_wait3A_212] : memref<819200x128xf32, #tpu.memory_space<hbm>> -> memref<256x64xf32, #tpu.memory_space<hbm>>
    %dma_wait3A_214 = arith.constant 409600 : i32
    %dma_wait3A_215 = arith.constant 0 : i32
    %dma_wait3A_216 = tpu.memref_slice %arg6[%dma_wait3A_214, %dma_wait3A_215] : memref<819200x128xf32, #tpu.memory_space<hbm>> -> memref<256x64xf32, #tpu.memory_space<hbm>>
    tpu.wait_dma2 semaphore(%arg16 : memref<!tpu.dma_semaphore, #tpu.memory_space<semaphore_mem>>) src(%arg13 : memref<256x64xf32, #tpu.memory_space<vmem>>) dst(%dma_wait3A_216 : memref<256x64xf32, #tpu.memory_space<hbm>>)
    %dma_wait3A_217 = arith.constant 409600 : i32
    %dma_wait3A_218 = arith.constant 64 : i32
    %dma_wait3A_219 = tpu.memref_slice %arg6[%dma_wait3A_217, %dma_wait3A_218] : memref<819200x128xf32, #tpu.memory_space<hbm>> -> memref<256x64xf32, #tpu.memory_space<hbm>>
    %dma_wait3A_220 = arith.constant 409600 : i32
    %dma_wait3A_221 = arith.constant 64 : i32
    %dma_wait3A_222 = tpu.memref_slice %arg6[%dma_wait3A_220, %dma_wait3A_221] : memref<819200x128xf32, #tpu.memory_space<hbm>> -> memref<256x64xf32, #tpu.memory_space<hbm>>
    tpu.wait_dma2 semaphore(%arg16 : memref<!tpu.dma_semaphore, #tpu.memory_space<semaphore_mem>>) src(%arg14 : memref<256x64xf32, #tpu.memory_space<vmem>>) dst(%dma_wait3A_222 : memref<256x64xf32, #tpu.memory_space<hbm>>)
    return
  }
}

module attributes {stable_mosaic.version = 14 : i64} {
  func.func @_mm_body(%arg0: i32, %arg1: i32, %arg2: memref<4096x128xf32, #tpu.memory_space<vmem>>, %arg3: memref<128x128xf32, #tpu.memory_space<vmem>>, %arg4: memref<1x64x8192xf32, #tpu.memory_space<vmem>>) attributes {dimension_semantics = [#tpu.dimension_semantics<arbitrary>, #tpu.dimension_semantics<arbitrary>], iteration_bounds = array<i64: 100, 2>, scalar_prefetch = 0 : i64, scratch_operands = 0 : i64, tpu.core_type = #tpu.core_type<tc>, window_params = [{transform_indices = @transform_0, window_bounds = array<i64: 4096, 128>}, {pipeline_mode = #tpu.pipeline_mode<synchronous>, transform_indices = @transform_1, window_bounds = array<i64: 128, 128>}, {transform_indices = @transform_2, window_bounds = array<i64: 1, 64, 8192>}]} {
    %get3A = arith.constant 0 : index
    %get3A_0 = arith.constant 0 : index
    %get3A_1 = vector.load %arg3[%get3A, %get3A_0] : memref<128x128xf32, #tpu.memory_space<vmem>>, vector<128x128xf32>
    %get3A_2 = arith.constant 0 : index
    %get3A_3 = arith.constant 0 : index
    %get3A_4 = vector.load %arg2[%get3A_2, %get3A_3] : memref<4096x128xf32, #tpu.memory_space<vmem>>, vector<4096x128xf32>
    %dot_general3A = arith.constant dense<0.000000e+00> : vector<128x4096xf32>
    %dot_general3A_5 = tpu.matmul %get3A_1, %get3A_4, %dot_general3A {dimension_numbers = #tpu.dot_dimension_numbers<[1], [1], [0], [0], [0, 0, 1, 0], [], []>, transpose_lhs_hint = false} : vector<128x128xf32>, vector<4096x128xf32>, vector<128x4096xf32> -> vector<128x4096xf32>
    %slice3A = vector.extract_strided_slice %dot_general3A_5 {offsets = [0, 0], sizes = [64, 4096], strides = [1, 1]} : vector<128x4096xf32> to vector<64x4096xf32>
    %swap3A = arith.constant 0 : index
    %swap3A_6 = arith.constant 0 : index
    %swap3A_7 = arith.constant 0 : index
    %swap3A_8 = vector.load %arg4[%swap3A, %swap3A_6, %swap3A_7] : memref<1x64x8192xf32, #tpu.memory_space<vmem>>, vector<1x64x4096xf32>
    %swap3A_9 = vector.shape_cast %swap3A_8 : vector<1x64x4096xf32> to vector<64x4096xf32>
    %swap3A_10 = vector.shape_cast %slice3A : vector<64x4096xf32> to vector<1x64x4096xf32>
    tpu.vector_store %arg4[%swap3A, %swap3A_6, %swap3A_7], %swap3A_10 {strides = array<i32>} : memref<1x64x8192xf32, #tpu.memory_space<vmem>>, vector<1x64x4096xf32>,
    %slice3A_11 = vector.extract_strided_slice %dot_general3A_5 {offsets = [64, 0], sizes = [64, 4096], strides = [1, 1]} : vector<128x4096xf32> to vector<64x4096xf32>
    %swap3A_12 = arith.constant 0 : index
    %swap3A_13 = arith.constant 0 : index
    %swap3A_14 = arith.constant 4096 : index
    %swap3A_15 = vector.load %arg4[%swap3A_12, %swap3A_13, %swap3A_14] : memref<1x64x8192xf32, #tpu.memory_space<vmem>>, vector<1x64x4096xf32>
    %swap3A_16 = vector.shape_cast %swap3A_15 : vector<1x64x4096xf32> to vector<64x4096xf32>
    %swap3A_17 = vector.shape_cast %slice3A_11 : vector<64x4096xf32> to vector<1x64x4096xf32>
    tpu.vector_store %arg4[%swap3A_12, %swap3A_13, %swap3A_14], %swap3A_17 {strides = array<i32>} : memref<1x64x8192xf32, #tpu.memory_space<vmem>>, vector<1x64x4096xf32>,
    return
  }
  func.func @transform_0(%arg0: i32, %arg1: i32) -> (i32, i32) {
    %mul3A = arith.constant 2 : i32
    %mul3A_0 = arith.muli %arg0, %mul3A : i32
    %add3A = arith.addi %mul3A_0, %arg1 : i32
    %c0_i32 = arith.constant 0 : i32
    %c0_i32_1 = arith.constant 0 : i32
    return %add3A, %c0_i32 : i32, i32
  }
  func.func @transform_1(%arg0: i32, %arg1: i32) -> (i32, i32) {
    %c0_i32 = arith.constant 0 : i32
    %c0_i32_0 = arith.constant 0 : i32
    %c0_i32_1 = arith.constant 0 : i32
    return %c0_i32, %c0_i32_0 : i32, i32
  }
  func.func @transform_2(%arg0: i32, %arg1: i32) -> (i32, i32, i32) {
    %c0_i32 = arith.constant 0 : i32
    %c0_i32_0 = arith.constant 0 : i32
    return %arg0, %c0_i32, %arg1 : i32, i32, i32
  }
}

</mosaic_0001>

<sc_bundles>
// kernel: kernel.4.cloned.1.call-start
scs
__scs_entry_jumppad:
0x0: {  	(pc) =	sbr.rel $0x88, $3  }
0x1: {  	(tag) =	ssettag $0x0;
	lr =	simm.s32 $0x1  }
0x2: {  	[smem:$0x3F9C] =	sst lr;
	_ =	strace $0xD0000000  }
0x3: {  	_ = 	snop  }
0x4: {  	_ = 	snop  }
0x5: {  	_ = 	snop  }
0x6: {  	_ = 	snop  }
0x7: {  	_ = 	snop  }
__scs_overlays_trampoline_lowered:
0x8: {  	[smem:$0x3FAB] =	sst s0  }
0x9: {  	[smem:$0x3FAC] =	sst s1  }
0xa: {  	[smem:$0x3FAD] =	sst s2  }
0xb: {  	[smem:$0x3FAE] =	sst s3  }
0xc: {  	[smem:$0x3FAF] =	sst s4  }
0xd: {  	[smem:$0x3FB0] =	sst s5  }
0xe: {  	[smem:$0x3FB1] =	sst s6  }
0xf: {  	[smem:$0x3FB2] =	sst s7  }
0x10: {  	[smem:$0x3FB3] =	sst s8  }
0x11: {  	[smem:$0x3FB4] =	sst s9;
	s0 =	simm.s32 @!p0 $0x0  }
0x12: {  	s1 =	sld [smem:$0x3F9A];
	s0 =	simm.s32 @p0 $0x1  }
0x13: {  	[smem:$0x3FB5] =	sst s0;
	s0 =	simm.s32 @!p1 $0x0  }
0x14: {  	s2 =	sld [smem:$0x3F99];
	s0 =	simm.s32 @p1 $0x1  }
0x15: {  	[smem:$0x3FB6] =	sst s0;
	s0 =	simm.s32 @!p2 $0x0  }
0x16: {  	s3 =	sld [smem:$0x3FDB];
	s0 =	simm.s32 @p2 $0x1  }
0x17: {  	s4 =	simm.s32 $0x1BF5;
	[smem:$0x3FB8] =	sst s0  }
0x18: {  	s0 =	sld [smem:$0x3F9B];
	_ =	swait.ge [sflag:s4], $0x0  }
0x19: {  	s7 =	sld [smem:$0x3F9C]  }
0x1a: {  	s8 =	sadd.s32 $0xFFFFE003, lr  }
0x1b: {  	s9 =	sadd.s32 $0xFFFFFEF7, lr;
	s5 =	simm.s32 $0xFFFFFFFF;
	p2 =	slt.u32 s8, $0xFFFFF086  }
0x1c: {  	p1 =	slt.u32 s9, $0xF7A;
	s5 =	simm.s32 @!p2 $0x0  }
0x1d: {  	s5 =	simm.s32 @p1 $0x1;
	p0 =	seq.s32 s7, s2  }
0x1e: {  	s7 =	smul.u32 @!p0 $0xF7A, s2;
	p2 =	seq.s32 @!p0 s5, $0x0  }
0x1f: {  	s9 =	smul.u32 $0xF7A, s1;
	s8 =	simm.s32 @!p0 $0x1BF5;
	p2 =	por !p2, p0  }
0x20: {  	[sflag:s8] =	ssyncset.s32 @!p0 $0xFFFFF086;
	s6 =	sadd.s32 @!p0 s3, s7;
	s7 =	simm.s32 @!p0 $0x108  }
0x21: {  	s3 =	sadd.s32 s3, s9;
	s6 =	sadd.s32 @!p0 $0x88, s6;
	s7 =	simm.s32 @p2 $0x1082  }
0x22: {  	[simem:s7], [sflag:s8] =	dma.local @!p0 [hbm:s6], $0xF7A  }
0x23: {  	s9 =	sor.u32 $0xD0000000, s2;
	s6 =	simm.s32 $0x108;
	_ =	swait.ge @!p0 [sflag:s8], $0x0  }
0x24: {  	s3 =	sadd.s32 $0x88, s3;
	s6 =	simm.s32 @!p1 $0x1082;
	[sflag:s4] =	ssyncset.s32 $0xFFFFF086  }
0x25: {  	[simem:s6], [sflag:s4] =	dma.local [hbm:s3], $0xF7A  }
0x26: {  	[smem:$0x3F9C] =	sst s1;
	(tag) =	ssettag s2;
	_ =	strace s9  }
0x27: {  	s1 =	sld [smem:$0x3FAC]  }
0x28: {  	s2 =	sld [smem:$0x3FAD]  }
0x29: {  	s4 =	sld [smem:$0x3FAF]  }
0x2a: {  	p0 =	seq.s32 s5, $0x0;
	s5 =	sld [smem:$0x3FB0]  }
0x2b: {  	s6 =	sld [smem:$0x3FB1]  }
0x2c: {  	s7 =	sld [smem:$0x3FB2]  }
0x2d: {  	s3 =	simm.s32 $0x108;
	s8 =	sld [smem:$0x3FB3]  }
0x2e: {  	s3 =	simm.s32 @!p0 $0x1082;
	s9 =	sld [smem:$0x3FB4]  }
0x2f: {  	lr =	sadd.s32 s0, s3;
	s0 =	sld [smem:$0x3FAB]  }
0x30: {  	s3 =	sld [smem:$0x3FAE]  }
0x31: {  	[smem:$0x3FB7] =	sst s10  }
0x32: {  	s10 =	sld [smem:$0x3FB5];
	_ =	sdelay $0x3  }
0x33: {  	p0 =	seq.s32 s10, $0x1;
	s10 =	sld [smem:$0x3FB7];
	_ =	sdelay $0x3  }
0x34: {  	[smem:$0x3FB7] =	sst s10  }
0x35: {  	s10 =	sld [smem:$0x3FB6];
	_ =	sdelay $0x3  }
0x36: {  	p1 =	seq.s32 s10, $0x1;
	s10 =	sld [smem:$0x3FB7];
	_ =	sdelay $0x3  }
0x37: {  	[smem:$0x3FB7] =	sst s10  }
0x38: {  	s10 =	sld [smem:$0x3FB8]  }
0x39: {  	_ = 	snop;
	(pc) =	sbr.ind lr, $3  }
0x3a: {  	_ = 	snop  }
0x3b: {  	_ = 	snop  }
0x3c: {  	p2 =	seq.s32 s10, $0x1;
	s10 =	sld [smem:$0x3FB7]  }
0x3d: {  	_ =	shalt  }
0x3e: {  	_ =	shalt  }
0x3f: {  	_ =	shalt  }
0x40: {  	_ =	shalt  }
0x41: {  	_ =	shalt  }
0x42: {  	_ =	shalt  }
0x43: {  	_ =	shalt  }
0x44: {  	_ =	shalt  }
0x45: {  	_ =	shalt  }
0x46: {  	_ =	shalt  }
0x47: {  	_ =	shalt  }
0x48: {  	_ =	shalt  }
0x49: {  	_ =	shalt  }
0x4a: {  	_ =	shalt  }
0x4b: {  	_ =	shalt  }
0x4c: {  	_ =	shalt  }
0x4d: {  	_ =	shalt  }
0x4e: {  	_ =	shalt  }
0x4f: {  	_ =	shalt  }
0x50: {  	_ =	shalt  }
0x51: {  	_ =	shalt  }
0x52: {  	_ =	shalt  }
0x53: {  	_ =	shalt  }
0x54: {  	_ =	shalt  }
0x55: {  	_ =	shalt  }
0x56: {  	_ =	shalt  }
0x57: {  	_ =	shalt  }
0x58: {  	_ =	shalt  }
0x59: {  	_ =	shalt  }
0x5a: {  	_ =	shalt  }
0x5b: {  	_ =	shalt  }
0x5c: {  	_ =	shalt  }
0x5d: {  	_ =	shalt  }
0x5e: {  	_ =	shalt  }
0x5f: {  	_ =	shalt  }
0x60: {  	_ =	shalt  }
0x61: {  	_ =	shalt  }
0x62: {  	_ =	shalt  }
0x63: {  	_ =	shalt  }
0x64: {  	_ =	shalt  }
0x65: {  	_ =	shalt  }
0x66: {  	_ =	shalt  }
0x67: {  	_ =	shalt  }
0x68: {  	_ =	shalt  }
0x69: {  	_ =	shalt  }
0x6a: {  	_ =	shalt  }
0x6b: {  	_ =	shalt  }
0x6c: {  	_ =	shalt  }
0x6d: {  	_ =	shalt  }
0x6e: {  	_ =	shalt  }
0x6f: {  	_ =	shalt  }
0x70: {  	_ =	shalt  }
0x71: {  	_ =	shalt  }
0x72: {  	_ =	shalt  }
0x73: {  	_ =	shalt  }
0x74: {  	_ =	shalt  }
0x75: {  	_ =	shalt  }
0x76: {  	_ =	shalt  }
0x77: {  	_ =	shalt  }
0x78: {  	_ =	shalt  }
0x79: {  	_ =	shalt  }
0x7a: {  	_ =	shalt  }
0x7b: {  	_ =	shalt  }
0x7c: {  	_ =	shalt  }
0x7d: {  	_ =	shalt  }
0x7e: {  	_ =	shalt  }
0x7f: {  	_ =	shalt  }
0x80: {  	_ =	shalt  }
0x81: {  	_ =	shalt  }
0x82: {  	_ =	shalt  }
0x83: {  	_ =	shalt  }
0x84: {  	_ =	shalt  }
0x85: {  	_ =	shalt  }
0x86: {  	_ =	shalt  }
0x87: {  	_ =	shalt  }
.Lfunc_end0:
.L_simem_size_0:
called_computation_lowered:
.L_overlay_start_0:
0x88: {  	s2 =	sld [smem:$0x3FD9]  }
0x89: {  	s3 =	sld [smem:$0x3FFE];
	_ =	sdelay $0x1  }
0x8a: {  	s1 =	srdreg.scid  }
0x8b: {  	s0 =	sand.u32 $0x1, s1  }
0x8c: {  	s17 =	sshll.u32 s0, $0xA;
	s2 =	sadd.s32 s3, s2  }
0x8d: {  	s2 =	sadd.s32 s2, s17  }
0x8e: {  	[smem:$0x3FC3] =	sst s2  }
0x8f: {  	_ = 	snop  }
0x90: {  	s2 =	sld [smem:$0x3FD0];
	(tm) =	ssettm $0x1  }
0x91: {  	s18 =	sld [smem:$0x3FFB];
	_ =	sdelay $0x3  }
0x92: {  	_ =	strace s18  }
0x93: {  	s3 =	sld [smem:$0x3FFC];
	_ =	sdelay $0x3  }
0x94: {  	_ =	strace s3  }
0x95: {  	s3 =	sld [smem:$0x3FFD];
	_ =	sdelay $0x3  }
0x96: {  	_ =	strace s3  }
0x97: {  	_ =	strace $0x8FFFFFFF  }
0x98: {  	s19 =	sld [smem:$0x3FDB];
	_ =	sdelay $0x1  }
0x99: {  	s4 =	simm.s32 $_scs_section_size  }
0x9a: {  	s5 =	simm.s32 $_size__tile_overlayer_lowered;
	s6 =	simm.s32 $_tile_overlayer_lowered  }
0x9b: {  	s22 =	simm.s32 $0x1BFF;
	s21 =	sshll.u32 s6, $0x1;
	s3 =	sadd.s32 s4, s19  }
0x9c: {  	s7 =	simm.s32 $0x0;
	s20 =	sshll.u32 s5, $0x1;
	s5 =	sadd.s32 s21, s3  }
0x9d: {  	[timem:s7], [sflag:s22] =	dma.local [hbm:s5], s20  }
0x9e: {  	_ =	swait.ge [sflag:s22], s20  }
0x9f: {  	s4 =	ssub.s32 $0x0, s20;
	[sflag:s22] =	ssyncset.done $0x0  }
0xa0: {  	[sflag:s22] =	ssyncadd.s32 s4;
	_ =	sdelay $0x1  }
0xa1: {  	s23 =	simm.s32 $0x1B8B  }
0xa2: {  	_ =	swait.ge [sflag:s23], $0x1  }
0xa3: {  	[sflag:s23] =	ssyncset.done $0x0  }
0xa4: {  	s25 =	simm.s32 $0x1B8E;
	s24 =	sld [smem:$0x3FFE];
	[sflag:s23] =	ssyncadd.s32 $0xFFFFFFFF  }
0xa5: {  	s26 =	simm.s32 $execute0_lowered;
	[smem:$0x3FD2] =	sst s25  }
0xa6: {  	s5 =	sshll.u32 s26, $0x1;
	_ =	strace $0x80000046;
	[dreg:$0x1] =	wrdreg $0xFFFFFFFF  }
0xa7: {  	s28 =	simm.s32 $_size_execute0_lowered;
	s3 =	sadd.s32 s3, s5;
	[dreg:$0x0] =	wrdreg $0x0  }
0xa8: {  	s5 =	sshll.u32 s28, $0x1;
	[dreg:$0x2] =	wrdreg s3  }
0xa9: {  	[dreg:$0x3] =	wrdreg s5  }
0xaa: {  	[dreg:$0x4] =	wrdreg $0xC0  }
0xab: {  	_ =	task [dreg:s7], $0x5FFFF  }
0xac: {  	[dreg:$0x1] =	wrdreg $0xFFFFFFFF  }
0xad: {  	[dreg:$0x0] =	wrdreg $0x60  }
0xae: {  	[dreg:$0x2] =	wrdreg s24  }
0xaf: {  	[dreg:$0x3] =	wrdreg s2  }
0xb0: {  	[dreg:$0x4] =	wrdreg $0x9  }
0xb1: {  	_ =	task.clear_ibuf [dreg:s7], $0x5FFFF;
	_ =	strace $0x90000046  }
0xb2: {  	s29 =	simm.s32 $0x9;
	_ =	strace $0x80000048  }
0xb3: {  	_ =	swait.ge [sflag:s29], $0x1  }
0xb4: {  	[sflag:s29] =	ssyncadd.s32 $0xFFFFFFFF  }
0xb5: {  	_ =	strace $0x90000048  }
0xb6: {  	_ =	sfence  }
0xb7: {  	s30 =	sld [smem:$0x0];
	_ =	sdelay $0x2  }
0xb8: {  	s31 =	sshll.u32 s1, $0xD;
	s1 =	sshrl.u32 s1, $0x2  }
0xb9: {  	s3 =	sand.u32 $0x4000, s31;
	s1 =	sadd.s32 s1, s30  }
0xba: {  	s0 =	sor.u32 s3, s0;
	s1 =	sshll.u32 s1, $0x11  }
0xbb: {  	s0 =	sor.u32 s1, s0  }
0xbc: {  	s0 =	sadd.s32 $0x8F2B, s0  }
0xbd: {  	[sflag:s0] =	ssyncadd.remote.s32 $0x1  }
0xbe: {  	_ =	sfence.sel $0xFFFF  }
0xbf: {  	[dreg:$0x0] =	wrdreg $0xFFFFFFFF;
	(pc) =	sbr.abs _section_cstart, $3  }
0xc0: {  	[dreg:$0x1] =	wrdreg $0xFFFFFFFF  }
0xc1: {  	_ =	task.clear_ibuf [dreg:s7], $0x2FFFF;
	_ =	strace $0x9FFFFFFF  }
0xc2: {  	(tm) =	ssettm $0x7FFFFFFF  }
0xc3: {  	_ =	shalt  }
tec
execute0_lowered:
.L_overlay_start_1:
0x0: {  	(tag) =	ssettag $0x1  }
0x1: {  	s0 =	rddreg [dreg:$0x0];
	s15 =	stileid.u32  }
0x2: {  	s2 =	rddreg [dreg:$0x1];
	s20 =	smul.u32 $0x320000, s15  }
0x3: {  	s1 =	srdreg.scid;
	s3 =	simm.s32 $0x0;
	s12 =	smul.u32 $0xC800, s15  }
0x4: {  	s16 =	simm.s32 $0x100;
	s17 =	simm.s32 $0x400;
	s24 =	smul.u32 $0x6400, s15  }
0x5: {  	s1 =	sand.u32 $0x1, s1;
	s4 =	sshll.u32 s15, $0x1;
	s15 =	smul.u32 $0x64000, s15  }
0x6: {  	s18 =	simm.s32 $0x4400;
	s19 =	simm.s32 $0x200;
	s21 =	smul.u32 $0x190000, s1  }
0x7: {  	s28 =	simm.s32 $0x0;
	[smem:$0x7FF] =	sst s3;
	s13 =	smul.u32 $0x6400, s1  }
0x8: {  	s5 =	sadd.s32 $0xA00, s0;
	s6 =	sadd.s32 $0xF42E00, s0;
	s26 =	smul.u32 $0x3200, s1  }
0x9: {  	s7 =	sor.u32 s1, s4;
	s10 =	ssub.s32 $0x2, s1;
	s1 =	smul.u32 $0x32000, s1  }
0xa: {  	_ =	strace $0x80000047;
	s4 =	sadd.s32 $0x19A00, s0;
	s8 =	smul.u32 $0x3200, s7  }
0xb: {  	s0 =	sadd.s32 $0x32A00, s0;
	s9 =	smul.u32 $0x2400, s7;
	s11 =	sshrl.u32 s10, $0x1  }
0xc: {  	s7 =	smul.u32 $0x6400, s7;
	s11 =	ssub.s32 s10, s11;
	s12 =	sadd.s32 s13, s12  }
0xd: {  	s31 =	sadd.s32 s26, s24;
	s24 =	simm.s32 $0x40;
	s26 =	simm.s32 $0x2  }
0xe: {  	s9 =	sand.u32 $0x2000, s9;
	s8 =	sand.u32 $0xE00, s8;
	s7 =	sand.u32 $0xFC000, s7  }
0xf: {  	s30 =	smax.u32 s11, $0x1;
	s13 =	sadd.s32 $0x200, s31;
	s8 =	sor.u32 s8, s9  }
0x10: {  	[dreg:$0x8] =	wrdreg s30;
	s7 =	sor.u32 s7, s8;
	s8 =	sadd.s32 s21, s20  }
0x11: {  	s20 =	simm.s32 $0x300;
	s21 =	simm.s32 $0x8400;
	s7 =	sshrl.u32 s7, $0x3  }
0x12: {  	s25 =	sshrl.u32 s8, $0x3;
	s22 =	sadd.s32 s4, s7;
	s23 =	sor.u32 $0x200, s7  }
0x13: {  	s7 =	sadd.s32 s5, s7;
	[dreg:$0x4] =	wrdreg s22;
	s14 =	sadd.s32 s4, s23  }
0x14: {  	[dreg:$0x6] =	wrdreg s7;
	s29 =	sadd.s32 s5, s23;
	s7 =	sadd.s32 s25, s0  }
0x15: {  	s0 =	sadd.s32 s15, s0;
	s15 =	simm.s32 $0x3;
	[dreg:$0x5] =	wrdreg s14  }
0x16: {  	s22 =	simm.s32 $0xC400;
	s23 =	simm.s32 $0x1;
	[dreg:$0x7] =	wrdreg s29  }
0x17: {  	s25 =	simm.s32 $0x80;
	[dreg:$0x3] =	wrdreg s7;
	s14 =	sadd.s32 s1, s0  }
.LBB2_1:
0x18: {  	s0 =	rddreg [dreg:$0x4]  }
0x19: {  	[tilespmem:s3], [sflag:$0x3] =	stream.linear.gather [hbm4b:s0+s3], $0x100, $0x38;
	[tilespmem:$0x10400] =	vst v63  }
0x1a: {  	_ =	swait.ge [sflag:s15], $0x100  }
0x1b: {  	[sflag:s15] =	ssyncset.done $0x0  }
0x1c: {  	s7 =	rddreg [dreg:$0x5];
	[sflag:s15] =	ssyncadd.s32 $0xFFFFFF00  }
0x1d: {  	[tilespmem:s16], [sflag:$0x3] =	stream.linear.gather [hbm4b:s7+s3], $0x100, $0x38;
	[tilespmem:$0x10400] =	vst v63  }
0x1e: {  	_ =	swait.ge [sflag:s15], $0x100  }
0x1f: {  	p0 =	por $0x1, $0x1;
	[sflag:s15] =	ssyncset.done $0x0  }
0x20: {  	p0 =	por p0, p0;
	[sflag:s15] =	ssyncadd.s32 $0xFFFFFF00  }
0x21: {  	[tilespmem:s17], [sflag:$0x1] =	stream.indirect.gather [hbm4b:s2+s16], $0x40, s3, s16, $0xb8;
	[tilespmem:$0x10400] =	vst v63  }
0x22: {  	s0 =	simm.s32 @!p0 $0x2  }
0x23: {  	[tilespmem:s18], [sflag:$0x1] =	stream.indirect.gather [hbm4b:s2+s16], $0x40, s16, s16, $0xb8;
	[tilespmem:$0x10400] =	vst v63  }
0x24: {  	_ =	swait.ge @!p0 [sflag:s0], $0x4000  }
0x25: {  	s1 =	sadd.s32 $0xFFFFFF00, s13;
	s7 =	sadd.s32 $0x200, s12;
	[sflag:s0] =	ssyncset.done @!p0 $0x0  }
0x26: {  	s1 =	sand.u32 $0xF00, s1;
	s7 =	sand.u32 $0x7FFFE000, s7;
	[sflag:s0] =	ssyncadd.s32 @!p0 $0xFFFFC000  }
0x27: {  	s1 =	sor.u32 s1, s7;
	_ =	swait.ge @!p0 [sflag:s0], $0x4000  }
0x28: {  	s29 =	sshrl.u32 s1, $0x3;
	[sflag:s0] =	ssyncset.done @!p0 $0x0  }
0x29: {  	s8 =	sadd.s32 s4, s29;
	[sflag:s0] =	ssyncadd.s32 @!p0 $0xFFFFC000  }
0x2a: {  	[tilespmem:s19], [sflag:$0x3] =	stream.linear.gather [hbm4b:s8+s3], $0x100, $0x38;
	[tilespmem:$0x10400] =	vst v63  }
0x2b: {  	_ =	swait.ge [sflag:s15], $0x100  }
0x2c: {  	[sflag:s15] =	ssyncset.done $0x0  }
0x2d: {  	s0 =	sadd.s32 $0x200, s8;
	[sflag:s15] =	ssyncadd.s32 $0xFFFFFF00  }
0x2e: {  	[tilespmem:s20], [sflag:$0x3] =	stream.linear.gather [hbm4b:s0+s3], $0x100, $0x38;
	[tilespmem:$0x10400] =	vst v63  }
0x2f: {  	_ =	swait.ge [sflag:s15], $0x100  }
0x30: {  	[sflag:s15] =	ssyncset.done $0x0  }
0x31: {  	[sflag:s15] =	ssyncadd.s32 $0xFFFFFF00  }
0x32: {  	[tilespmem:s21], [sflag:$0x1] =	stream.indirect.gather [hbm4b:s2+s16], $0x40, s19, s16, $0xb8;
	[tilespmem:$0x10400] =	vst v63  }
0x33: {  	_ = 	snop  }
0x34: {  	[tilespmem:s22], [sflag:$0x1] =	stream.indirect.gather [hbm4b:s2+s16], $0x40, s20, s16, $0xb8;
	[tilespmem:$0x10400] =	vst v63  }
0x35: {  	_ =	swait.ge [sflag:s23], $0x4000  }
0x36: {  	[sflag:s23] =	ssyncset.done $0x0  }
0x37: {  	[sflag:s23] =	ssyncadd.s32 $0xFFFFC000  }
0x38: {  	_ =	swait.ge [sflag:s23], $0x4000  }
0x39: {  	s9 =	rddreg [dreg:$0x3];
	[sflag:s23] =	ssyncset.done $0x0  }
0x3a: {  	[sflag:s23] =	ssyncadd.s32 $0xFFFFC000;
	s0 =	sadd.s32 $0x0, s9  }
0x3b: {  	[hbm4b:s0+s24] =	stream.strided.scatter [tilespmem:s17], [sflag:$0x2], $0x4000, s25, s24, $0x38;
	[tilespmem:$0x10400] =	vst v63  }
0x3c: {  	p0 =	por $0x0, $0x0;
	s0 =	sadd.s32 $0x8, s0  }
0x3d: {  	[hbm4b:s0+s24] =	stream.strided.scatter [tilespmem:s18], [sflag:$0x2], $0x4000, s25, s24, $0x38;
	[tilespmem:$0x10400] =	vst v63  }
0x3e: {  	s0 =	simm.s32 @!p0 $0x2  }
0x3f: {  	_ =	swait.ge @!p0 [sflag:s0], $0x4000  }
0x40: {  	s1 =	sadd.s32 @!p0 $0x400, s12;
	[sflag:s0] =	ssyncset.done @!p0 $0x0  }
0x41: {  	s7 =	sand.u32 @!p0 $0xE00, s13;
	s1 =	sand.u32 @!p0 $0x7FFFE000, s1;
	[sflag:s0] =	ssyncadd.s32 @!p0 $0xFFFFC000  }
0x42: {  	s1 =	sor.u32 @!p0 s7, s1;
	_ =	swait.ge @!p0 [sflag:s0], $0x4000  }
0x43: {  	s7 =	simm.s32 @!p0 $0x0;
	s1 =	sshrl.u32 @!p0 s1, $0x3;
	[sflag:s0] =	ssyncset.done @!p0 $0x0  }
0x44: {  	s1 =	sadd.s32 @!p0 s4, s1;
	[sflag:s0] =	ssyncadd.s32 @!p0 $0xFFFFC000;
	s0 =	simm.s32 @!p0 $0x3  }
0x45: {  	[tilespmem:s7], [sflag:$0x3] =	stream.linear.gather @!p0 [hbm4b:s1+s7], $0x100, $0x38;
	[tilespmem:$0x10400] =	vst v63  }
0x46: {  	_ =	swait.ge @!p0 [sflag:s0], $0x100  }
0x47: {  	[sflag:s0] =	ssyncset.done @!p0 $0x0  }
0x48: {  	s8 =	simm.s32 @!p0 $0x100;
	s1 =	sadd.s32 @!p0 $0x200, s1;
	[sflag:s0] =	ssyncadd.s32 @!p0 $0xFFFFFF00  }
0x49: {  	[tilespmem:s8], [sflag:$0x3] =	stream.linear.gather @!p0 [hbm4b:s1+s7], $0x100, $0x38;
	[tilespmem:$0x10400] =	vst v63  }
0x4a: {  	_ =	swait.ge @!p0 [sflag:s0], $0x100  }
0x4b: {  	[sflag:s0] =	ssyncset.done @!p0 $0x0  }
0x4c: {  	s1 =	simm.s32 @!p0 $0x400;
	[sflag:s0] =	ssyncadd.s32 @!p0 $0xFFFFFF00  }
0x4d: {  	[tilespmem:s1], [sflag:$0x1] =	stream.indirect.gather @!p0 [hbm4b:s2+s8], $0x40, s7, s8, $0xb8;
	[tilespmem:$0x10400] =	vst v63  }
0x4e: {  	s0 =	simm.s32 @!p0 $0x4400  }
0x4f: {  	[tilespmem:s0], [sflag:$0x1] =	stream.indirect.gather @!p0 [hbm4b:s2+s8], $0x40, s8, s8, $0xb8;
	[tilespmem:$0x10400] =	vst v63  }
0x50: {  	_ =	swait.ge [sflag:s23], $0x4000  }
0x51: {  	s10 =	sadd.s32 $0x0, s14;
	[sflag:s23] =	ssyncset.done $0x0  }
0x52: {  	p6 =	por $0x0, $0x0;
	s30 =	simm.s32 $0x2000;
	[sflag:s23] =	ssyncadd.s32 $0xFFFFC000  }
0x53: {  	s31 =	sadd.s32 $0x200, s13;
	s11 =	sadd.s32 $0x1000, s10;
	_ =	swait.ge [sflag:s23], $0x4000  }
0x54: {  	s1 =	simm.s32 $0x4000;
	p0 =	por p6, p6;
	[sflag:s23] =	ssyncset.done $0x0  }
0x55: {  	s8 =	sadd.s32 $0x1008, s10;
	s0 =	sadd.s32 $0x400, s12;
	[sflag:s23] =	ssyncadd.s32 $0xFFFFC000  }
0x56: {  	[hbm4b:s11+s24] =	stream.strided.scatter [tilespmem:s21], [sflag:$0x2], $0x4000, s25, s24, $0x38;
	[tilespmem:$0x10400] =	vst v63  }
.LBB2_2:
0x57: {  	s9 =	simm.s32 @!p0 $0x2  }
0x58: {  	[hbm4b:s8+s24] =	stream.strided.scatter [tilespmem:s22], [sflag:$0x2], $0x4000, s25, s24, $0x38;
	[tilespmem:$0x10400] =	vst v63  }
0x59: {  	_ =	swait.ge @!p0 [sflag:s9], $0x4000  }
0x5a: {  	s11 =	sadd.s32 $0xFFFFFF00, s31;
	s10 =	sadd.s32 $0x200, s0;
	[sflag:s9] =	ssyncset.done @!p0 $0x0  }
0x5b: {  	s8 =	sand.u32 $0xF00, s11;
	s10 =	sand.u32 $0x7FFFE000, s10;
	[sflag:s9] =	ssyncadd.s32 @!p0 $0xFFFFC000  }
0x5c: {  	s8 =	sor.u32 s8, s10;
	_ =	swait.ge @!p0 [sflag:s9], $0x4000  }
0x5d: {  	s8 =	sshrl.u32 s8, $0x3;
	[sflag:s9] =	ssyncset.done @!p0 $0x0  }
0x5e: {  	s8 =	sadd.s32 s4, s8;
	[sflag:s9] =	ssyncadd.s32 @!p0 $0xFFFFC000  }
0x5f: {  	[tilespmem:s19], [sflag:$0x3] =	stream.linear.gather [hbm4b:s8+s3], $0x100, $0x38;
	[tilespmem:$0x10400] =	vst v63  }
0x60: {  	_ =	swait.ge [sflag:s15], $0x100  }
0x61: {  	[sflag:s15] =	ssyncset.done $0x0  }
0x62: {  	s8 =	sadd.s32 $0x200, s8;
	[sflag:s15] =	ssyncadd.s32 $0xFFFFFF00  }
0x63: {  	[tilespmem:s20], [sflag:$0x3] =	stream.linear.gather [hbm4b:s8+s3], $0x100, $0x38;
	[tilespmem:$0x10400] =	vst v63  }
0x64: {  	_ =	swait.ge [sflag:s15], $0x100  }
0x65: {  	[sflag:s15] =	ssyncset.done $0x0  }
0x66: {  	[sflag:s15] =	ssyncadd.s32 $0xFFFFFF00  }
0x67: {  	[tilespmem:s21], [sflag:$0x1] =	stream.indirect.gather [hbm4b:s2+s16], $0x40, s19, s16, $0xb8;
	[tilespmem:$0x10400] =	vst v63  }
0x68: {  	_ = 	snop  }
0x69: {  	[tilespmem:s22], [sflag:$0x1] =	stream.indirect.gather [hbm4b:s2+s16], $0x40, s20, s16, $0xb8;
	[tilespmem:$0x10400] =	vst v63  }
0x6a: {  	_ =	swait.ge [sflag:s23], $0x4000  }
0x6b: {  	[sflag:s23] =	ssyncset.done $0x0  }
0x6c: {  	[sflag:s23] =	ssyncadd.s32 $0xFFFFC000  }
0x6d: {  	_ =	swait.ge [sflag:s23], $0x4000  }
0x6e: {  	s9 =	rddreg [dreg:$0x3];
	[sflag:s23] =	ssyncset.done $0x0  }
0x6f: {  	p2 =	seq.s32 s1, $0x0;
	[sflag:s23] =	ssyncadd.s32 $0xFFFFC000;
	s8 =	sadd.s32 s30, s9  }
0x70: {  	[hbm4b:s8+s24] =	stream.strided.scatter [tilespmem:s17], [sflag:$0x2], $0x4000, s25, s24, $0x38;
	[tilespmem:$0x10400] =	vst v63  }
0x71: {  	p0 =	por p2, p2;
	p2 =	seq.s32 s30, $0x30000;
	s8 =	sadd.s32 $0x8, s8  }
0x72: {  	[hbm4b:s8+s24] =	stream.strided.scatter [tilespmem:s18], [sflag:$0x2], $0x4000, s25, s24, $0x38;
	[tilespmem:$0x10400] =	vst v63  }
0x73: {  	s8 =	simm.s32 @!p2 $0x2  }
0x74: {  	_ =	swait.ge @!p2 [sflag:s8], $0x4000  }
0x75: {  	s9 =	sadd.s32 @!p2 $0x400, s0;
	[sflag:s8] =	ssyncset.done @!p2 $0x0  }
0x76: {  	s10 =	sand.u32 @!p2 $0xE00, s31;
	s9 =	sand.u32 @!p2 $0x7FFFE000, s9;
	[sflag:s8] =	ssyncadd.s32 @!p2 $0xFFFFC000  }
0x77: {  	s9 =	sor.u32 @!p2 s10, s9;
	_ =	swait.ge @!p2 [sflag:s8], $0x4000  }
0x78: {  	s10 =	simm.s32 @!p2 $0x0;
	s9 =	sshrl.u32 @!p2 s9, $0x3;
	[sflag:s8] =	ssyncset.done @!p2 $0x0  }
0x79: {  	s9 =	sadd.s32 @!p2 s4, s9;
	[sflag:s8] =	ssyncadd.s32 @!p2 $0xFFFFC000;
	s8 =	simm.s32 @!p2 $0x3  }
0x7a: {  	[tilespmem:s10], [sflag:$0x3] =	stream.linear.gather @!p2 [hbm4b:s9+s10], $0x100, $0x38;
	[tilespmem:$0x10400] =	vst v63  }
0x7b: {  	_ =	swait.ge @!p2 [sflag:s8], $0x100  }
0x7c: {  	[sflag:s8] =	ssyncset.done @!p2 $0x0  }
0x7d: {  	s11 =	sadd.s32 @!p2 $0x200, s9;
	s9 =	simm.s32 @!p2 $0x100;
	[sflag:s8] =	ssyncadd.s32 @!p2 $0xFFFFFF00  }
0x7e: {  	[tilespmem:s9], [sflag:$0x3] =	stream.linear.gather @!p2 [hbm4b:s11+s10], $0x100, $0x38;
	[tilespmem:$0x10400] =	vst v63  }
0x7f: {  	_ =	swait.ge @!p2 [sflag:s8], $0x100  }
0x80: {  	[sflag:s8] =	ssyncset.done @!p2 $0x0  }
0x81: {  	s11 =	simm.s32 @!p2 $0x400;
	[sflag:s8] =	ssyncadd.s32 @!p2 $0xFFFFFF00  }
0x82: {  	[tilespmem:s11], [sflag:$0x1] =	stream.indirect.gather @!p2 [hbm4b:s2+s9], $0x40, s10, s9, $0xb8;
	[tilespmem:$0x10400] =	vst v63  }
0x83: {  	s8 =	simm.s32 @!p2 $0x4400  }
0x84: {  	[tilespmem:s8], [sflag:$0x1] =	stream.indirect.gather @!p2 [hbm4b:s2+s9], $0x40, s9, s9, $0xb8;
	[tilespmem:$0x10400] =	vst v63  }
0x85: {  	s7 =	smov.u32 s1;
	s1 =	sadd.s32 $0x2000, s1;
	_ =	swait.ge [sflag:s23], $0x4000  }
0x86: {  	p1 =	sne.s32 s1, $0x32000;
	[sflag:s23] =	ssyncset.done $0x0  }
.Ltmp0:
0x87: {  	[sflag:s23] =	ssyncadd.s32 $0xFFFFC000;
	(pc) =	sbr.rel @p1 .LBB2_2-.Ltmp0, $4  }
0x88: {  	s31 =	sadd.s32 $0x200, s31;
	s0 =	sadd.s32 $0x400, s0;
	_ =	swait.ge [sflag:s23], $0x4000  }
0x89: {  	s10 =	sadd.s32 s30, s14;
	s30 =	smov.u32 s7;
	[sflag:s23] =	ssyncset.done $0x0  }
0x8a: {  	s11 =	sadd.s32 $0x1000, s10;
	s8 =	sadd.s32 $0x1008, s10;
	[sflag:s23] =	ssyncadd.s32 $0xFFFFC000  }
0x8b: {  	[hbm4b:s11+s24] =	stream.strided.scatter [tilespmem:s21], [sflag:$0x2], $0x4000, s25, s24, $0x38;
	[tilespmem:$0x10400] =	vst v63  }
0x8c: {  	s1 =	simm.s32 @!p0 $0x2  }
0x8d: {  	[hbm4b:s8+s24] =	stream.strided.scatter [tilespmem:s22], [sflag:$0x2], $0x4000, s25, s24, $0x38;
	[tilespmem:$0x10400] =	vst v63  }
0x8e: {  	_ =	swait.ge @!p0 [sflag:s1], $0x4000  }
0x8f: {  	s7 =	sadd.s32 $0xFFFFFF00, s31;
	s11 =	sadd.s32 $0x200, s0;
	[sflag:s1] =	ssyncset.done @!p0 $0x0  }
0x90: {  	s7 =	sand.u32 $0xF00, s7;
	s8 =	sand.u32 $0x7FFFE000, s11;
	[sflag:s1] =	ssyncadd.s32 @!p0 $0xFFFFC000  }
0x91: {  	s7 =	sor.u32 s7, s8;
	_ =	swait.ge @!p0 [sflag:s1], $0x4000  }
0x92: {  	s7 =	sshrl.u32 s7, $0x3;
	[sflag:s1] =	ssyncset.done @!p0 $0x0  }
0x93: {  	s7 =	sadd.s32 s4, s7;
	[sflag:s1] =	ssyncadd.s32 @!p0 $0xFFFFC000  }
0x94: {  	[tilespmem:s19], [sflag:$0x3] =	stream.linear.gather [hbm4b:s7+s3], $0x100, $0x38;
	[tilespmem:$0x10400] =	vst v63  }
0x95: {  	_ =	swait.ge [sflag:s15], $0x100  }
0x96: {  	[sflag:s15] =	ssyncset.done $0x0  }
0x97: {  	s1 =	sadd.s32 $0x200, s7;
	[sflag:s15] =	ssyncadd.s32 $0xFFFFFF00  }
0x98: {  	[tilespmem:s20], [sflag:$0x3] =	stream.linear.gather [hbm4b:s1+s3], $0x100, $0x38;
	[tilespmem:$0x10400] =	vst v63  }
0x99: {  	_ =	swait.ge [sflag:s15], $0x100  }
0x9a: {  	[sflag:s15] =	ssyncset.done $0x0  }
0x9b: {  	[sflag:s15] =	ssyncadd.s32 $0xFFFFFF00  }
0x9c: {  	[tilespmem:s21], [sflag:$0x1] =	stream.indirect.gather [hbm4b:s2+s16], $0x40, s19, s16, $0xb8;
	[tilespmem:$0x10400] =	vst v63  }
0x9d: {  	_ = 	snop  }
0x9e: {  	[tilespmem:s22], [sflag:$0x1] =	stream.indirect.gather [hbm4b:s2+s16], $0x40, s20, s16, $0xb8;
	[tilespmem:$0x10400] =	vst v63  }
0x9f: {  	_ =	swait.ge [sflag:s23], $0x4000  }
0xa0: {  	[sflag:s23] =	ssyncset.done $0x0  }
0xa1: {  	[sflag:s23] =	ssyncadd.s32 $0xFFFFC000  }
0xa2: {  	_ =	swait.ge [sflag:s23], $0x4000  }
0xa3: {  	s8 =	rddreg [dreg:$0x3];
	[sflag:s23] =	ssyncset.done $0x0  }
0xa4: {  	[sflag:s23] =	ssyncadd.s32 $0xFFFFC000;
	s1 =	sadd.s32 s30, s8  }
0xa5: {  	[hbm4b:s1+s24] =	stream.strided.scatter [tilespmem:s17], [sflag:$0x2], $0x4000, s25, s24, $0x38;
	[tilespmem:$0x10400] =	vst v63  }
0xa6: {  	p0 =	seq.s32 s30, $0x30000;
	s1 =	sadd.s32 $0x8, s1  }
0xa7: {  	[hbm4b:s1+s24] =	stream.strided.scatter [tilespmem:s18], [sflag:$0x2], $0x4000, s25, s24, $0x38;
	[tilespmem:$0x10400] =	vst v63  }
0xa8: {  	s1 =	simm.s32 @!p0 $0x2  }
0xa9: {  	_ =	swait.ge @!p0 [sflag:s1], $0x4000  }
0xaa: {  	s0 =	sadd.s32 @!p0 $0x400, s0;
	[sflag:s1] =	ssyncset.done @!p0 $0x0  }
0xab: {  	s7 =	sand.u32 @!p0 $0xE00, s31;
	s0 =	sand.u32 @!p0 $0x7FFFE000, s0;
	[sflag:s1] =	ssyncadd.s32 @!p0 $0xFFFFC000  }
0xac: {  	s0 =	sor.u32 @!p0 s7, s0;
	_ =	swait.ge @!p0 [sflag:s1], $0x4000  }
0xad: {  	s7 =	simm.s32 @!p0 $0x0;
	s0 =	sshrl.u32 @!p0 s0, $0x3;
	[sflag:s1] =	ssyncset.done @!p0 $0x0  }
0xae: {  	s0 =	sadd.s32 @!p0 s4, s0;
	[sflag:s1] =	ssyncadd.s32 @!p0 $0xFFFFC000;
	s1 =	simm.s32 @!p0 $0x3  }
0xaf: {  	[tilespmem:s7], [sflag:$0x3] =	stream.linear.gather @!p0 [hbm4b:s0+s7], $0x100, $0x38;
	[tilespmem:$0x10400] =	vst v63  }
0xb0: {  	_ =	swait.ge @!p0 [sflag:s1], $0x100  }
0xb1: {  	[sflag:s1] =	ssyncset.done @!p0 $0x0  }
0xb2: {  	s8 =	simm.s32 @!p0 $0x100;
	s0 =	sadd.s32 @!p0 $0x200, s0;
	[sflag:s1] =	ssyncadd.s32 @!p0 $0xFFFFFF00  }
0xb3: {  	[tilespmem:s8], [sflag:$0x3] =	stream.linear.gather @!p0 [hbm4b:s0+s7], $0x100, $0x38;
	[tilespmem:$0x10400] =	vst v63  }
0xb4: {  	_ =	swait.ge @!p0 [sflag:s1], $0x100  }
0xb5: {  	[sflag:s1] =	ssyncset.done @!p0 $0x0  }
0xb6: {  	s0 =	simm.s32 @!p0 $0x400;
	[sflag:s1] =	ssyncadd.s32 @!p0 $0xFFFFFF00  }
0xb7: {  	[tilespmem:s0], [sflag:$0x1] =	stream.indirect.gather @!p0 [hbm4b:s2+s8], $0x40, s7, s8, $0xb8;
	[tilespmem:$0x10400] =	vst v63  }
0xb8: {  	s0 =	simm.s32 @!p0 $0x4400  }
0xb9: {  	[tilespmem:s0], [sflag:$0x1] =	stream.indirect.gather @!p0 [hbm4b:s2+s8], $0x40, s8, s8, $0xb8;
	[tilespmem:$0x10400] =	vst v63  }
0xba: {  	_ =	swait.ge [sflag:s23], $0x4000  }
0xbb: {  	[sflag:s23] =	ssyncset.done $0x0  }
0xbc: {  	[sflag:s23] =	ssyncadd.s32 $0xFFFFC000  }
0xbd: {  	_ =	swait.ge [sflag:s23], $0x4000  }
0xbe: {  	s9 =	sadd.s32 s30, s14;
	[sflag:s23] =	ssyncset.done $0x0  }
0xbf: {  	s10 =	sadd.s32 $0x1000, s9;
	[sflag:s23] =	ssyncadd.s32 $0xFFFFC000  }
0xc0: {  	[hbm4b:s10+s24] =	stream.strided.scatter [tilespmem:s21], [sflag:$0x2], $0x4000, s25, s24, $0x38;
	[tilespmem:$0x10400] =	vst v63  }
0xc1: {  	s0 =	sadd.s32 $0x1008, s9  }
0xc2: {  	[hbm4b:s0+s24] =	stream.strided.scatter [tilespmem:s22], [sflag:$0x2], $0x4000, s25, s24, $0x38;
	[tilespmem:$0x10400] =	vst v63  }
0xc3: {  	_ =	swait.ge [sflag:s26], $0x4000  }
0xc4: {  	[sflag:s26] =	ssyncset.done $0x0  }
0xc5: {  	[sflag:s26] =	ssyncadd.s32 $0xFFFFC000  }
0xc6: {  	_ =	swait.ge [sflag:s26], $0x4000  }
0xc7: {  	[sflag:s26] =	ssyncset.done $0x0  }
0xc8: {  	[sflag:s26] =	ssyncadd.s32 $0xFFFFC000  }
0xc9: {  	_ =	swait.ge [sflag:s26], $0x4000  }
0xca: {  	[sflag:s26] =	ssyncset.done $0x0  }
0xcb: {  	[sflag:s26] =	ssyncadd.s32 $0xFFFFC000  }
0xcc: {  	_ =	swait.ge [sflag:s26], $0x4000  }
0xcd: {  	[sflag:s26] =	ssyncset.done $0x0  }
0xce: {  	s11 =	simm.s32 $0x0;
	s31 =	rddreg [dreg:$0x6];
	[sflag:s26] =	ssyncadd.s32 $0xFFFFC000  }
0xcf: {  	[tilespmem:s11], [sflag:$0x3] =	stream.linear.gather [hbm4b:s31+s11], $0x100, $0x38;
	[tilespmem:$0x10400] =	vst v63  }
0xd0: {  	_ =	swait.ge [sflag:s15], $0x100  }
0xd1: {  	[sflag:s15] =	ssyncset.done $0x0  }
0xd2: {  	s7 =	rddreg [dreg:$0x7];
	[sflag:s15] =	ssyncadd.s32 $0xFFFFFF00  }
0xd3: {  	[tilespmem:s16], [sflag:$0x3] =	stream.linear.gather [hbm4b:s7+s11], $0x100, $0x38;
	[tilespmem:$0x10400] =	vst v63  }
0xd4: {  	_ =	swait.ge [sflag:s15], $0x100  }
0xd5: {  	[sflag:s15] =	ssyncset.done $0x0  }
0xd6: {  	p0 =	por $0x1, $0x1;
	[sflag:s15] =	ssyncadd.s32 $0xFFFFFF00  }
0xd7: {  	[tilespmem:s17], [sflag:$0x1] =	stream.indirect.gather [hbm4b:s6+s16], $0x40, s11, s16, $0xb8;
	[tilespmem:$0x10400] =	vst v63  }
0xd8: {  	s0 =	simm.s32 @!p0 $0x2  }
0xd9: {  	[tilespmem:s18], [sflag:$0x1] =	stream.indirect.gather [hbm4b:s6+s16], $0x40, s16, s16, $0xb8;
	[tilespmem:$0x10400] =	vst v63  }
0xda: {  	_ =	swait.ge @!p0 [sflag:s0], $0x4000  }
0xdb: {  	[sflag:s0] =	ssyncset.done @!p0 $0x0  }
0xdc: {  	[sflag:s0] =	ssyncadd.s32 @!p0 $0xFFFFC000  }
0xdd: {  	_ =	swait.ge @!p0 [sflag:s0], $0x4000  }
0xde: {  	[sflag:s0] =	ssyncset.done @!p0 $0x0  }
0xdf: {  	s8 =	sadd.s32 s5, s29;
	[sflag:s0] =	ssyncadd.s32 @!p0 $0xFFFFC000  }
0xe0: {  	[tilespmem:s19], [sflag:$0x3] =	stream.linear.gather [hbm4b:s8+s3], $0x100, $0x38;
	[tilespmem:$0x10400] =	vst v63  }
0xe1: {  	_ =	swait.ge [sflag:s15], $0x100  }
0xe2: {  	[sflag:s15] =	ssyncset.done $0x0  }
0xe3: {  	s9 =	sadd.s32 $0x200, s8;
	[sflag:s15] =	ssyncadd.s32 $0xFFFFFF00  }
0xe4: {  	[tilespmem:s20], [sflag:$0x3] =	stream.linear.gather [hbm4b:s9+s3], $0x100, $0x38;
	[tilespmem:$0x10400] =	vst v63  }
0xe5: {  	_ =	swait.ge [sflag:s15], $0x100  }
0xe6: {  	[sflag:s15] =	ssyncset.done $0x0  }
0xe7: {  	[sflag:s15] =	ssyncadd.s32 $0xFFFFFF00  }
0xe8: {  	[tilespmem:s21], [sflag:$0x1] =	stream.indirect.gather [hbm4b:s6+s16], $0x40, s19, s16, $0xb8;
	[tilespmem:$0x10400] =	vst v63  }
0xe9: {  	_ = 	snop  }
0xea: {  	[tilespmem:s22], [sflag:$0x1] =	stream.indirect.gather [hbm4b:s6+s16], $0x40, s20, s16, $0xb8;
	[tilespmem:$0x10400] =	vst v63  }
0xeb: {  	_ =	swait.ge [sflag:s23], $0x4000  }
0xec: {  	[sflag:s23] =	ssyncset.done $0x0  }
0xed: {  	[sflag:s23] =	ssyncadd.s32 $0xFFFFC000  }
0xee: {  	_ =	swait.ge [sflag:s23], $0x4000  }
0xef: {  	s10 =	sadd.s32 $0x0, s14;
	[sflag:s23] =	ssyncset.done $0x0  }
0xf0: {  	s11 =	sadd.s32 $0x640000, s10;
	p0 =	por $0x0, $0x0;
	[sflag:s23] =	ssyncadd.s32 $0xFFFFC000  }
0xf1: {  	[hbm4b:s11+s24] =	stream.strided.scatter [tilespmem:s17], [sflag:$0x2], $0x4000, s25, s24, $0x38;
	[tilespmem:$0x10400] =	vst v63  }
0xf2: {  	s31 =	sadd.s32 $0x640008, s10;
	s7 =	simm.s32 @!p0 $0x2  }
0xf3: {  	[hbm4b:s31+s24] =	stream.strided.scatter [tilespmem:s18], [sflag:$0x2], $0x4000, s25, s24, $0x38;
	[tilespmem:$0x10400] =	vst v63  }
0xf4: {  	_ =	swait.ge @!p0 [sflag:s7], $0x4000  }
0xf5: {  	s1 =	sadd.s32 @!p0 $0x400, s12;
	[sflag:s7] =	ssyncset.done @!p0 $0x0  }
0xf6: {  	s8 =	sand.u32 @!p0 $0xE00, s13;
	s1 =	sand.u32 @!p0 $0x7FFFE000, s1;
	[sflag:s7] =	ssyncadd.s32 @!p0 $0xFFFFC000  }
0xf7: {  	s1 =	sor.u32 @!p0 s8, s1;
	_ =	swait.ge @!p0 [sflag:s7], $0x4000  }
0xf8: {  	s8 =	simm.s32 @!p0 $0x3;
	s1 =	sshrl.u32 @!p0 s1, $0x3;
	[sflag:s7] =	ssyncset.done @!p0 $0x0  }
0xf9: {  	s1 =	sadd.s32 @!p0 s5, s1;
	[sflag:s7] =	ssyncadd.s32 @!p0 $0xFFFFC000;
	s7 =	simm.s32 @!p0 $0x0  }
0xfa: {  	[tilespmem:s7], [sflag:$0x3] =	stream.linear.gather @!p0 [hbm4b:s1+s7], $0x100, $0x38;
	[tilespmem:$0x10400] =	vst v63  }
0xfb: {  	_ =	swait.ge @!p0 [sflag:s8], $0x100  }
0xfc: {  	[sflag:s8] =	ssyncset.done @!p0 $0x0  }
0xfd: {  	s9 =	simm.s32 @!p0 $0x100;
	s1 =	sadd.s32 @!p0 $0x200, s1;
	[sflag:s8] =	ssyncadd.s32 @!p0 $0xFFFFFF00  }
0xfe: {  	[tilespmem:s9], [sflag:$0x3] =	stream.linear.gather @!p0 [hbm4b:s1+s7], $0x100, $0x38;
	[tilespmem:$0x10400] =	vst v63  }
0xff: {  	_ =	swait.ge @!p0 [sflag:s8], $0x100  }
0x100: {  	s30 =	simm.s32 $0x2000;
	[sflag:s8] =	ssyncset.done @!p0 $0x0  }
0x101: {  	s29 =	sadd.s32 $0x200, s13;
	s1 =	simm.s32 @!p0 $0x400;
	[sflag:s8] =	ssyncadd.s32 @!p0 $0xFFFFFF00  }
0x102: {  	[tilespmem:s1], [sflag:$0x1] =	stream.indirect.gather @!p0 [hbm4b:s6+s9], $0x40, s7, s9, $0xb8;
	[tilespmem:$0x10400] =	vst v63  }
0x103: {  	s0 =	smov.u32 s12;
	s8 =	sadd.s32 $0x641000, s10;
	s1 =	simm.s32 @!p0 $0x4400  }
0x104: {  	[tilespmem:s1], [sflag:$0x1] =	stream.indirect.gather @!p0 [hbm4b:s6+s9], $0x40, s9, s9, $0xb8;
	[tilespmem:$0x10400] =	vst v63  }
0x105: {  	s7 =	sadd.s32 $0x641008, s10;
	s1 =	simm.s32 $0x4000;
	_ =	swait.ge [sflag:s23], $0x4000  }
.LBB2_4:
0x106: {  	[sflag:s23] =	ssyncset.done $0x0  }
0x107: {  	s0 =	sadd.s32 $0x400, s0;
	s31 =	smov.u32 s1;
	s1 =	sadd.s32 $0x2000, s1  }
0x108: {  	p0 =	sne.s32 s1, $0x32000;
	[sflag:s23] =	ssyncadd.s32 $0xFFFFC000  }
0x109: {  	p1 =	seq.s32 s30, $0x0;
	_ =	swait.ge [sflag:s23], $0x4000  }
0x10a: {  	s9 =	sadd.s32 $0xFFFFFF00, s29;
	[sflag:s23] =	ssyncset.done $0x0  }
0x10b: {  	s10 =	sadd.s32 $0x200, s0;
	s9 =	sand.u32 $0xF00, s9;
	[sflag:s23] =	ssyncadd.s32 $0xFFFFC000  }
0x10c: {  	s10 =	sand.u32 $0x7FFFE000, s10  }
0x10d: {  	[hbm4b:s8+s24] =	stream.strided.scatter [tilespmem:s21], [sflag:$0x2], $0x4000, s25, s24, $0x38;
	[tilespmem:$0x10400] =	vst v63  }
0x10e: {  	s9 =	sor.u32 s9, s10;
	s8 =	simm.s32 @!p1 $0x2  }
0x10f: {  	[hbm4b:s7+s24] =	stream.strided.scatter [tilespmem:s22], [sflag:$0x2], $0x4000, s25, s24, $0x38;
	[tilespmem:$0x10400] =	vst v63  }
0x110: {  	_ =	swait.ge @!p1 [sflag:s8], $0x4000  }
0x111: {  	[sflag:s8] =	ssyncset.done @!p1 $0x0  }
0x112: {  	[sflag:s8] =	ssyncadd.s32 @!p1 $0xFFFFC000  }
0x113: {  	s7 =	sshrl.u32 s9, $0x3;
	_ =	swait.ge @!p1 [sflag:s8], $0x4000  }
0x114: {  	s7 =	sadd.s32 s5, s7;
	[sflag:s8] =	ssyncset.done @!p1 $0x0  }
0x115: {  	[sflag:s8] =	ssyncadd.s32 @!p1 $0xFFFFC000  }
0x116: {  	[tilespmem:s19], [sflag:$0x3] =	stream.linear.gather [hbm4b:s7+s3], $0x100, $0x38;
	[tilespmem:$0x10400] =	vst v63  }
0x117: {  	_ =	swait.ge [sflag:s15], $0x100  }
0x118: {  	s7 =	sadd.s32 $0x200, s7;
	[sflag:s15] =	ssyncset.done $0x0  }
0x119: {  	[sflag:s15] =	ssyncadd.s32 $0xFFFFFF00  }
0x11a: {  	[tilespmem:s20], [sflag:$0x3] =	stream.linear.gather [hbm4b:s7+s3], $0x100, $0x38;
	[tilespmem:$0x10400] =	vst v63  }
0x11b: {  	_ =	swait.ge [sflag:s15], $0x100  }
0x11c: {  	[sflag:s15] =	ssyncset.done $0x0  }
0x11d: {  	s7 =	sadd.s32 s30, s14;
	[sflag:s15] =	ssyncadd.s32 $0xFFFFFF00  }
0x11e: {  	[tilespmem:s21], [sflag:$0x1] =	stream.indirect.gather [hbm4b:s6+s16], $0x40, s19, s16, $0xb8;
	[tilespmem:$0x10400] =	vst v63  }
0x11f: {  	s8 =	sadd.s32 $0x640000, s7  }
0x120: {  	[tilespmem:s22], [sflag:$0x1] =	stream.indirect.gather [hbm4b:s6+s16], $0x40, s20, s16, $0xb8;
	[tilespmem:$0x10400] =	vst v63  }
0x121: {  	p1 =	seq.s32 s30, $0x30000;
	s30 =	smov.u32 s31;
	_ =	swait.ge [sflag:s23], $0x4000  }
0x122: {  	s9 =	sadd.s32 @!p1 $0x400, s0;
	[sflag:s23] =	ssyncset.done $0x0  }
0x123: {  	s10 =	sand.u32 @!p1 $0xE00, s29;
	s9 =	sand.u32 @!p1 $0x7FFFE000, s9;
	[sflag:s23] =	ssyncadd.s32 $0xFFFFC000  }
0x124: {  	s9 =	sor.u32 @!p1 s10, s9;
	s11 =	sadd.s32 $0x640008, s7;
	_ =	swait.ge [sflag:s23], $0x4000  }
0x125: {  	[sflag:s23] =	ssyncset.done $0x0  }
0x126: {  	s9 =	sshrl.u32 @!p1 s9, $0x3;
	[sflag:s23] =	ssyncadd.s32 $0xFFFFC000  }
0x127: {  	[hbm4b:s8+s24] =	stream.strided.scatter [tilespmem:s17], [sflag:$0x2], $0x4000, s25, s24, $0x38;
	[tilespmem:$0x10400] =	vst v63  }
0x128: {  	s9 =	sadd.s32 @!p1 s5, s9;
	s8 =	simm.s32 @!p1 $0x2  }
0x129: {  	[hbm4b:s11+s24] =	stream.strided.scatter [tilespmem:s18], [sflag:$0x2], $0x4000, s25, s24, $0x38;
	[tilespmem:$0x10400] =	vst v63  }
0x12a: {  	_ =	swait.ge @!p1 [sflag:s8], $0x4000  }
0x12b: {  	s10 =	sadd.s32 @!p1 $0x200, s9;
	[sflag:s8] =	ssyncset.done @!p1 $0x0  }
0x12c: {  	[sflag:s8] =	ssyncadd.s32 @!p1 $0xFFFFC000  }
0x12d: {  	_ =	swait.ge @!p1 [sflag:s8], $0x4000  }
0x12e: {  	[sflag:s8] =	ssyncset.done @!p1 $0x0  }
0x12f: {  	s11 =	simm.s32 @!p1 $0x3;
	[sflag:s8] =	ssyncadd.s32 @!p1 $0xFFFFC000;
	s8 =	simm.s32 @!p1 $0x0  }
0x130: {  	[tilespmem:s8], [sflag:$0x3] =	stream.linear.gather @!p1 [hbm4b:s9+s8], $0x100, $0x38;
	[tilespmem:$0x10400] =	vst v63  }
0x131: {  	_ =	swait.ge @!p1 [sflag:s11], $0x100  }
0x132: {  	[sflag:s11] =	ssyncset.done @!p1 $0x0  }
0x133: {  	s9 =	simm.s32 @!p1 $0x100;
	[sflag:s11] =	ssyncadd.s32 @!p1 $0xFFFFFF00  }
0x134: {  	[tilespmem:s9], [sflag:$0x3] =	stream.linear.gather @!p1 [hbm4b:s10+s8], $0x100, $0x38;
	[tilespmem:$0x10400] =	vst v63  }
0x135: {  	_ =	swait.ge @!p1 [sflag:s11], $0x100  }
0x136: {  	[sflag:s11] =	ssyncset.done @!p1 $0x0  }
.Ltmp1:
0x137: {  	s10 =	simm.s32 @!p1 $0x400;
	[sflag:s11] =	ssyncadd.s32 @!p1 $0xFFFFFF00;
	(pc) =	sbr.rel @p0 .LBB2_4-.Ltmp1, $4  }
0x138: {  	[tilespmem:s10], [sflag:$0x1] =	stream.indirect.gather @!p1 [hbm4b:s6+s9], $0x40, s8, s9, $0xb8;
	[tilespmem:$0x10400] =	vst v63  }
0x139: {  	s10 =	simm.s32 @!p1 $0x4400;
	s8 =	sadd.s32 $0x641000, s7  }
0x13a: {  	[tilespmem:s10], [sflag:$0x1] =	stream.indirect.gather @!p1 [hbm4b:s6+s9], $0x40, s9, s9, $0xb8;
	[tilespmem:$0x10400] =	vst v63  }
0x13b: {  	s29 =	sadd.s32 $0x200, s29;
	s7 =	sadd.s32 $0x641008, s7;
	_ =	swait.ge [sflag:s23], $0x4000  }
0x13c: {  	[sflag:s23] =	ssyncset.done $0x0  }
0x13d: {  	[sflag:s23] =	ssyncadd.s32 $0xFFFFC000  }
0x13e: {  	_ =	swait.ge [sflag:s23], $0x4000  }
0x13f: {  	[sflag:s23] =	ssyncset.done $0x0  }
0x140: {  	p0 =	seq.s32 s30, $0x0;
	[sflag:s23] =	ssyncadd.s32 $0xFFFFC000  }
0x141: {  	[hbm4b:s8+s24] =	stream.strided.scatter [tilespmem:s21], [sflag:$0x2], $0x4000, s25, s24, $0x38;
	[tilespmem:$0x10400] =	vst v63  }
0x142: {  	s1 =	simm.s32 @!p0 $0x2  }
0x143: {  	[hbm4b:s7+s24] =	stream.strided.scatter [tilespmem:s22], [sflag:$0x2], $0x4000, s25, s24, $0x38;
	[tilespmem:$0x10400] =	vst v63  }
0x144: {  	s0 =	sadd.s32 $0x400, s0;
	_ =	swait.ge @!p0 [sflag:s1], $0x4000  }
0x145: {  	s9 =	sadd.s32 $0xFFFFFF00, s29;
	s10 =	sadd.s32 $0x200, s0;
	[sflag:s1] =	ssyncset.done @!p0 $0x0  }
0x146: {  	s8 =	sand.u32 $0x7FFFE000, s10;
	s7 =	sand.u32 $0xF00, s9;
	[sflag:s1] =	ssyncadd.s32 @!p0 $0xFFFFC000  }
0x147: {  	s7 =	sor.u32 s7, s8;
	_ =	swait.ge @!p0 [sflag:s1], $0x4000  }
0x148: {  	s7 =	sshrl.u32 s7, $0x3;
	[sflag:s1] =	ssyncset.done @!p0 $0x0  }
0x149: {  	s7 =	sadd.s32 s5, s7;
	[sflag:s1] =	ssyncadd.s32 @!p0 $0xFFFFC000  }
0x14a: {  	[tilespmem:s19], [sflag:$0x3] =	stream.linear.gather [hbm4b:s7+s3], $0x100, $0x38;
	[tilespmem:$0x10400] =	vst v63  }
0x14b: {  	_ =	swait.ge [sflag:s15], $0x100  }
0x14c: {  	[sflag:s15] =	ssyncset.done $0x0  }
0x14d: {  	s11 =	sadd.s32 $0x200, s7;
	[sflag:s15] =	ssyncadd.s32 $0xFFFFFF00  }
0x14e: {  	[tilespmem:s20], [sflag:$0x3] =	stream.linear.gather [hbm4b:s11+s3], $0x100, $0x38;
	[tilespmem:$0x10400] =	vst v63  }
0x14f: {  	_ =	swait.ge [sflag:s15], $0x100  }
0x150: {  	[sflag:s15] =	ssyncset.done $0x0  }
0x151: {  	[sflag:s15] =	ssyncadd.s32 $0xFFFFFF00  }
0x152: {  	[tilespmem:s21], [sflag:$0x1] =	stream.indirect.gather [hbm4b:s6+s16], $0x40, s19, s16, $0xb8;
	[tilespmem:$0x10400] =	vst v63  }
0x153: {  	_ = 	snop  }
0x154: {  	[tilespmem:s22], [sflag:$0x1] =	stream.indirect.gather [hbm4b:s6+s16], $0x40, s20, s16, $0xb8;
	[tilespmem:$0x10400] =	vst v63  }
0x155: {  	_ =	swait.ge [sflag:s23], $0x4000  }
0x156: {  	[sflag:s23] =	ssyncset.done $0x0  }
0x157: {  	[sflag:s23] =	ssyncadd.s32 $0xFFFFC000  }
0x158: {  	_ =	swait.ge [sflag:s23], $0x4000  }
0x159: {  	s31 =	sadd.s32 s30, s14;
	[sflag:s23] =	ssyncset.done $0x0  }
0x15a: {  	s10 =	sadd.s32 $0x640000, s31;
	p0 =	seq.s32 s30, $0x30000;
	[sflag:s23] =	ssyncadd.s32 $0xFFFFC000  }
0x15b: {  	[hbm4b:s10+s24] =	stream.strided.scatter [tilespmem:s17], [sflag:$0x2], $0x4000, s25, s24, $0x38;
	[tilespmem:$0x10400] =	vst v63  }
0x15c: {  	s8 =	simm.s32 @!p0 $0x2;
	s11 =	sadd.s32 $0x640008, s31  }
0x15d: {  	[hbm4b:s11+s24] =	stream.strided.scatter [tilespmem:s18], [sflag:$0x2], $0x4000, s25, s24, $0x38;
	[tilespmem:$0x10400] =	vst v63  }
0x15e: {  	_ =	swait.ge @!p0 [sflag:s8], $0x4000  }
0x15f: {  	s0 =	sadd.s32 @!p0 $0x400, s0;
	[sflag:s8] =	ssyncset.done @!p0 $0x0  }
0x160: {  	s7 =	sand.u32 @!p0 $0xE00, s29;
	s0 =	sand.u32 @!p0 $0x7FFFE000, s0;
	[sflag:s8] =	ssyncadd.s32 @!p0 $0xFFFFC000  }
0x161: {  	s0 =	sor.u32 @!p0 s7, s0;
	_ =	swait.ge @!p0 [sflag:s8], $0x4000  }
0x162: {  	s7 =	simm.s32 @!p0 $0x0;
	s0 =	sshrl.u32 @!p0 s0, $0x3;
	[sflag:s8] =	ssyncset.done @!p0 $0x0  }
0x163: {  	s0 =	sadd.s32 @!p0 s5, s0;
	[sflag:s8] =	ssyncadd.s32 @!p0 $0xFFFFC000;
	s8 =	simm.s32 @!p0 $0x3  }
0x164: {  	[tilespmem:s7], [sflag:$0x3] =	stream.linear.gather @!p0 [hbm4b:s0+s7], $0x100, $0x38;
	[tilespmem:$0x10400] =	vst v63  }
0x165: {  	_ =	swait.ge @!p0 [sflag:s8], $0x100  }
0x166: {  	[sflag:s8] =	ssyncset.done @!p0 $0x0  }
0x167: {  	s9 =	simm.s32 @!p0 $0x100;
	s0 =	sadd.s32 @!p0 $0x200, s0;
	[sflag:s8] =	ssyncadd.s32 @!p0 $0xFFFFFF00  }
0x168: {  	[tilespmem:s9], [sflag:$0x3] =	stream.linear.gather @!p0 [hbm4b:s0+s7], $0x100, $0x38;
	[tilespmem:$0x10400] =	vst v63  }
0x169: {  	_ =	swait.ge @!p0 [sflag:s8], $0x100  }
0x16a: {  	[sflag:s8] =	ssyncset.done @!p0 $0x0  }
0x16b: {  	s0 =	simm.s32 @!p0 $0x400;
	[sflag:s8] =	ssyncadd.s32 @!p0 $0xFFFFFF00  }
0x16c: {  	[tilespmem:s0], [sflag:$0x1] =	stream.indirect.gather @!p0 [hbm4b:s6+s9], $0x40, s7, s9, $0xb8;
	[tilespmem:$0x10400] =	vst v63  }
0x16d: {  	s0 =	simm.s32 @!p0 $0x4400  }
0x16e: {  	[tilespmem:s0], [sflag:$0x1] =	stream.indirect.gather @!p0 [hbm4b:s6+s9], $0x40, s9, s9, $0xb8;
	[tilespmem:$0x10400] =	vst v63  }
0x16f: {  	_ =	swait.ge [sflag:s23], $0x4000  }
0x170: {  	[sflag:s23] =	ssyncset.done $0x0  }
0x171: {  	[sflag:s23] =	ssyncadd.s32 $0xFFFFC000  }
0x172: {  	_ =	swait.ge [sflag:s23], $0x4000  }
0x173: {  	[sflag:s23] =	ssyncset.done $0x0  }
0x174: {  	s29 =	sadd.s32 $0x641000, s31;
	[sflag:s23] =	ssyncadd.s32 $0xFFFFC000  }
0x175: {  	[hbm4b:s29+s24] =	stream.strided.scatter [tilespmem:s21], [sflag:$0x2], $0x4000, s25, s24, $0x38;
	[tilespmem:$0x10400] =	vst v63  }
0x176: {  	s30 =	sadd.s32 $0x641008, s31  }
0x177: {  	[hbm4b:s30+s24] =	stream.strided.scatter [tilespmem:s22], [sflag:$0x2], $0x4000, s25, s24, $0x38;
	[tilespmem:$0x10400] =	vst v63  }
0x178: {  	_ =	swait.ge [sflag:s26], $0x4000  }
0x179: {  	[sflag:s26] =	ssyncset.done $0x0  }
0x17a: {  	[sflag:s26] =	ssyncadd.s32 $0xFFFFC000  }
0x17b: {  	_ =	swait.ge [sflag:s26], $0x4000  }
0x17c: {  	[sflag:s26] =	ssyncset.done $0x0  }
0x17d: {  	[sflag:s26] =	ssyncadd.s32 $0xFFFFC000  }
0x17e: {  	_ =	swait.ge [sflag:s26], $0x4000  }
0x17f: {  	[sflag:s26] =	ssyncset.done $0x0  }
0x180: {  	[sflag:s26] =	ssyncadd.s32 $0xFFFFC000  }
0x181: {  	_ =	swait.ge [sflag:s26], $0x4000  }
0x182: {  	s28 =	sadd.s32 $0x1, s28;
	s31 =	rddreg [dreg:$0x8]  }
0x183: {  	p0 =	sne.s32 s28, s31  }
.Ltmp2:
0x184: {  	_ = 	snop;
	(pc) =	sbr.rel @p0 .LBB2_1-.Ltmp2, $3  }
0x185: {  	_ =	sdelay $0x1  }
0x186: {  	[sflag:s26] =	ssyncset.done $0x0  }
0x187: {  	[sflag:s26] =	ssyncadd.s32 $0xFFFFC000  }
0x188: {  	_ =	sfence.sel $0x180000  }
0x189: {  	[bflag:$0x0] =	sbarrier.arrive $0xFFFF  }
0x18a: {  	_ =	strace $0x90000047  }
0x18b: {  	s0 =	stileid.u32;
	[bflag:$0x2] =	sbarrier.arrive $0xFFFF  }
0x18c: {  	p0 =	sne.s32 s0, $0x0;
	s0 =	rddreg [dreg:$0x2]  }
0x18d: {  	s0 =	sadd.s32 @!p0 $0x100000, s0  }
0x18e: {  	[sflag:s0] =	ssyncadd.tile.s32 @!p0 $0x1;
	_ =	shalt  }
.Lfunc_end2:
_tile_overlayer_lowered:
.L_overlay_start_2:
0x18f: {  	(tag) =	ssettag $0x2  }
0x190: {  	s0 =	rddreg [dreg:$0x0];
	s2 =	stileid.u32  }
0x191: {  	s1 =	rddreg [dreg:$0x1];
	p0 =	sne.s32 s2, $0x0  }
0x192: {  	s3 =	rddreg [dreg:$0x2];
	[bflag:$0x3] =	sbarrier.arrive $0xFFFF;
	s2 =	simm.s32 @!p0 $0x1C03  }
0x193: {  	[timem:s3], [sflag:s2] =	dma.local @!p0 [hbm:s0], s1  }
0x194: {  	s0 =	simm.s32 @!p0 $0x3  }
0x195: {  	_ =	swait.ge @!p0 [sflag:s0], s1  }
0x196: {  	s1 =	ssub.s32 @!p0 $0x0, s1;
	[sflag:s0] =	ssyncset.done @!p0 $0x0  }
0x197: {  	[sflag:s0] =	ssyncadd.s32 @!p0 s1  }
0x198: {  	[bflag:$0x3] =	sbarrier.arrive $0xFFFF  }
0x199: {  	_ =	shalt  }

</sc_bundles>
